<compile_context>
chip_gen: v7x
topology: tpu7x:2x2x1
jax: 0.10.2.dev20260603
libtpu: 0.0.44.dev20260713+nightly
codegen_flags: <defaults>
</compile_context>

<pallas_src>
import functools

import jax
import jax.numpy as jnp
from jax import lax
from jax.experimental import pallas as pl
from jax.experimental.pallas import tpu as pltpu
from jax.experimental.pallas import tpu_sc as plsc

_CH = 128


def _sc_grid(e, nc, ns):
    nw = nc * ns
    q, r = divmod(e, nw * _CH)
    assert r % _CH == 0, (e, nw)
    return nw, q, r // _CH, nw * _CH * q


def _zero_rows(ref, rows, width):
    z16 = jnp.zeros((16,), jnp.float32)

    def body(i, _):
        for j in range(width // 16):
            ref[i, pl.ds(j * 16, 16)] = z16
        return 0

    lax.fori_loop(0, rows, body, 0)


def _row_split(n_nodes, ns):
    rmain = (n_nodes // (ns * 8)) * 8
    tail = n_nodes - ns * rmain
    assert tail % 8 == 0 and tail >= 0
    return rmain, tail


_W = 128
_ZC = 104


def _zero_acc(zbuf_v, acc_sh, s, rmain, tail, ns):
    _zero_rows(zbuf_v, _ZC, _W)
    nz = rmain // _ZC
    assert rmain % _ZC == 0 and tail <= _ZC

    def zb(i, _):
        pltpu.sync_copy(zbuf_v, acc_sh.at[pl.ds(s * rmain + i * _ZC, _ZC)])
        return 0

    lax.fori_loop(0, nz, zb, 0)
    if tail:
        @pl.when(s == ns - 1)
        def _():
            pltpu.sync_copy(zbuf_v.at[pl.ds(0, tail)],
                            acc_sh.at[pl.ds(ns * rmain, tail)])


def _write_out(acc_sh, out_hbm, c, s, rmain, tail, ns):
    pltpu.sync_copy(acc_sh.at[pl.ds(s * rmain, rmain)],
                    out_hbm.at[c, pl.ds(s * rmain, rmain)])
    if tail:
        @pl.when(s == ns - 1)
        def _():
            pltpu.sync_copy(acc_sh.at[pl.ds(ns * rmain, tail)],
                            out_hbm.at[c, pl.ds(ns * rmain, tail)])


def _make_deg(n_nodes, e, nc, ns):
    w = _W
    nw, q, extra, base_extra = _sc_grid(e, nc, ns)
    rmain, tail = _row_split(n_nodes, ns)
    mesh = plsc.VectorSubcoreMesh(core_axis_name="c", subcore_axis_name="s")

    @functools.partial(
        pl.kernel,
        mesh=mesh,
        out_type=jax.ShapeDtypeStruct((nc, n_nodes, w), jnp.float32),
        scratch_types=[
            pltpu.VMEM((_CH,), jnp.int32),
            pltpu.VMEM((_CH, w), jnp.float32),
            pltpu.VMEM((_ZC, w), jnp.float32),
            pltpu.MemorySpace.VMEM_SHARED((n_nodes, w), jnp.float32),
        ],
    )
    def deg_kernel(dst_hbm, out_hbm, dst_v, ones_v, zbuf_v, acc_sh):
        c = lax.axis_index("c")
        s = lax.axis_index("s")
        wid = c * ns + s
        one16 = jnp.ones((16,), jnp.float32)

        def fill_ones(i, _):
            for j in range(w // 16):
                ones_v[i, pl.ds(j * 16, 16)] = one16
            return 0

        lax.fori_loop(0, _CH, fill_ones, 0)
        _zero_acc(zbuf_v, acc_sh, s, rmain, tail, ns)
        plsc.subcore_barrier()

        def chunk(base):
            pltpu.sync_copy(dst_hbm.at[pl.ds(base, _CH)], dst_v)
            pltpu.sync_copy(ones_v, acc_sh.at[dst_v], add=True)

        def body(i, _):
            chunk(wid * (q * _CH) + i * _CH)
            return 0

        lax.fori_loop(0, q, body, 0)
        if extra:
            @pl.when(wid < extra)
            def _():
                chunk(base_extra + wid * _CH)

        plsc.subcore_barrier()
        _write_out(acc_sh, out_hbm, c, s, rmain, tail, ns)

    return deg_kernel


def _make_prop(n_nodes, e, nc, ns):
    w = _W
    nw, q, extra, base_extra = _sc_grid(e, nc, ns)
    rmain, tail = _row_split(n_nodes, ns)
    mesh = plsc.VectorSubcoreMesh(core_axis_name="c", subcore_axis_name="s")

    @functools.partial(
        pl.kernel,
        mesh=mesh,
        out_type=jax.ShapeDtypeStruct((nc, n_nodes, w), jnp.float32),
        scratch_types=[
            pltpu.VMEM((_CH,), jnp.int32),
            pltpu.VMEM((_CH,), jnp.int32),
            pltpu.VMEM((_CH, w), jnp.float32),
            pltpu.VMEM((_ZC, w), jnp.float32),
            pltpu.MemorySpace.VMEM_SHARED((n_nodes, w), jnp.float32),
            pltpu.SemaphoreType.DMA,
        ],
    )
    def prop_kernel(x_hbm, src_hbm, dst_hbm, out_hbm, src_v, dst_v, rows_v,
                    zbuf_v, acc_sh, sem):
        c = lax.axis_index("c")
        s = lax.axis_index("s")
        wid = c * ns + s
        _zero_acc(zbuf_v, acc_sh, s, rmain, tail, ns)
        plsc.subcore_barrier()

        def chunk(base):
            pltpu.sync_copy(src_hbm.at[pl.ds(base, _CH)], src_v)
            pltpu.sync_copy(dst_hbm.at[pl.ds(base, _CH)], dst_v)
            pltpu.async_copy(x_hbm.at[src_v], rows_v, sem).wait()
            pltpu.sync_copy(rows_v, acc_sh.at[dst_v], add=True)

        def body(i, _):
            chunk(wid * (q * _CH) + i * _CH)
            return 0

        lax.fori_loop(0, q, body, 0)
        if extra:
            @pl.when(wid < extra)
            def _():
                chunk(base_extra + wid * _CH)

        plsc.subcore_barrier()
        _write_out(acc_sh, out_hbm, c, s, rmain, tail, ns)

    return prop_kernel


def _matmul_body(hid, ncls, feat_ref, w0_ref, w1_ref, w2_ref, bs_ref, fc1_ref,
                 fc2_ref, degp_ref, y0_ref, z1_ref, z2_ref, norm_ref, bvec_ref):
    f32 = jnp.float32
    fc2 = fc2_ref[...]

    def fold(w_ref, j):
        fj = fc1_ref[pl.ds(j * hid, hid), :]
        return jnp.dot(jnp.dot(w_ref[...], fj, preferred_element_type=f32),
                       fc2, preferred_element_type=f32)

    m0 = fold(w0_ref, 0)
    m1 = fold(w1_ref, 1)
    m2 = fold(w2_ref, 2)
    bs = bs_ref[...]
    bf = (jnp.dot(bs[0:1], fc1_ref[pl.ds(0, hid), :], preferred_element_type=f32)
          + jnp.dot(bs[1:2], fc1_ref[pl.ds(hid, hid), :], preferred_element_type=f32)
          + jnp.dot(bs[2:3], fc1_ref[pl.ds(2 * hid, hid), :], preferred_element_type=f32))
    bvec_ref[...] = jnp.dot(bf, fc2, preferred_element_type=f32)

    dp = degp_ref[...]
    deg = dp[0, :, 0:1] + dp[1, :, 0:1]
    norm = lax.rsqrt(jnp.maximum(deg, 1.0))
    norm_ref[...] = norm
    x = feat_ref[...]
    pad = jnp.zeros((hid, _W - ncls), f32)
    m1p = jnp.concatenate([m1, pad], axis=1)
    m2p = jnp.concatenate([m2, pad], axis=1)
    y0_ref[...] = jnp.dot(x, m0, preferred_element_type=f32)
    z1_ref[...] = norm * jnp.dot(x, m1p, preferred_element_type=f32)
    z2_ref[...] = norm * jnp.dot(x, m2p, preferred_element_type=f32)


def _combine_mid_body(z1_ref, g2_ref, norm_ref, u_ref):
    nrm = norm_ref[...]
    g = g2_ref[...]
    u_ref[...] = z1_ref[...] + (nrm * nrm) * (g[0] + g[1])


def _combine_out_body(ncls, y0_ref, g1_ref, norm_ref, bvec_ref, out_ref):
    g = g1_ref[...]
    gs = (g[0] + g[1])[:, 0:ncls]
    out_ref[...] = y0_ref[...] + norm_ref[...] * gs + bvec_ref[...]


def kernel(feat, edge_index, W0, b0, W1, b1, W2, b2, FC1, FC2):
    n_nodes, d = feat.shape
    e = edge_index.shape[1]
    hid = W0.shape[1]
    ncls = FC2.shape[1]
    f32 = jnp.float32
    info = plsc.get_sparse_core_info()
    nc, ns = info.num_cores, info.num_subcores

    src_arr = edge_index[0]
    dst_arr = edge_index[1]
    degp = _make_deg(n_nodes, e, nc, ns)(dst_arr)

    bs = jnp.stack([b0, b1, b2], axis=0)
    y0, z1p, z2p, norm, bvec = pl.pallas_call(
        functools.partial(_matmul_body, hid, ncls),
        out_shape=[
            jax.ShapeDtypeStruct((n_nodes, ncls), f32),
            jax.ShapeDtypeStruct((n_nodes, _W), f32),
            jax.ShapeDtypeStruct((n_nodes, _W), f32),
            jax.ShapeDtypeStruct((n_nodes, 1), f32),
            jax.ShapeDtypeStruct((1, ncls), f32),
        ],
    )(feat, W0, W1, W2, bs, FC1, FC2, degp)

    prop = _make_prop(n_nodes, e, nc, ns)
    g2 = prop(z2p, src_arr, dst_arr)

    u = pl.pallas_call(
        _combine_mid_body,
        out_shape=jax.ShapeDtypeStruct((n_nodes, _W), f32),
    )(z1p, g2, norm)

    g1 = prop(u, src_arr, dst_arr)

    out = pl.pallas_call(
        functools.partial(_combine_out_body, ncls),
        out_shape=jax.ShapeDtypeStruct((n_nodes, ncls), f32),
    )(y0, g1, norm, bvec)
    return out

# --- scband reference (transcript-rebuilt; emitter-appended) ---
"""Pipeline reference for scband-mix-hop-network-32117765439685 (READ-ONLY COPY).

The authoritative reference and input builder live on the scoring server;
editing this copy changes nothing except your own understanding.
"""

import jax, jax.numpy as jnp
import numpy as np

N = 10000
E = 160000
D = 256
HID = 256
NCLS = 64
P = (0, 1, 2)


def setup_inputs(seed: int = 0) -> dict:
    key = jax.random.key(seed)
    ks = jax.random.split(key, 8)
    feat = jax.random.normal(ks[0], (N, D), dtype=jnp.float32)
    edge_index = jax.random.randint(ks[1], (2, E), 0, N, dtype=jnp.int32)
    s = 1.0 / np.sqrt(D)
    W0 = jax.random.normal(ks[2], (D, HID), dtype=jnp.float32) * s
    W1 = jax.random.normal(ks[3], (D, HID), dtype=jnp.float32) * s
    W2 = jax.random.normal(ks[4], (D, HID), dtype=jnp.float32) * s
    b0 = jnp.zeros((HID,), jnp.float32)
    b1 = jnp.zeros((HID,), jnp.float32)
    b2 = jnp.zeros((HID,), jnp.float32)
    FC1 = jax.random.normal(ks[5], (3 * HID, 256), dtype=jnp.float32) * (1.0 / np.sqrt(3 * HID))
    FC2 = jax.random.normal(ks[6], (256, NCLS), dtype=jnp.float32) * (1.0 / np.sqrt(256))
    return {"feat": feat, "edge_index": edge_index, "W0": W0, "b0": b0, "W1": W1, "b1": b1, "W2": W2, "b2": b2, "FC1": FC1, "FC2": FC2}


def reference(feat, edge_index, W0, b0, W1, b1, W2, b2, FC1, FC2):
    src = edge_index[0]
    dst = edge_index[1]
    # DGL MixHopConv: degs = in_degrees().clamp(min=1); norm = degs**-0.5
    deg = jnp.maximum(jnp.bincount(dst, length=N).astype(jnp.float32), 1.0)
    norm = (deg ** -0.5)[:, None]
    Ws = (W0, W1, W2)
    bs = (b0, b1, b2)
    h = feat
    outs = []
    max_j = max(P) + 1
    for j in range(max_j):
        if j in P:
            outs.append(h @ Ws[j] + bs[j])
        # symmetric-normalized propagation: D^-1/2 A D^-1/2 h
        h = h * norm
        msg = h[src]
        h = jax.ops.segment_sum(msg, dst, num_segments=N)
        h = h * norm
    out = jnp.concatenate(outs, axis=1)  # [N, 3*HID] = [N, 768]
    # fc layers (bias=False): 768 -> 256 -> n_classes
    out = out @ FC1
    out = out @ FC2
    return out

if __name__ == "__main__":
    import jax
    _d = setup_inputs()
    print(jax.jit(kernel)(*tuple(_d.values())))

</pallas_src>

<mosaic_0001>
#map = affine_map<(d0, d1) -> (0)>
#map1 = affine_map<(d0, d1) -> (0, 0, 0)>
module attributes {stable_mosaic.version = 14 : i64} {
  func.func @deg_kernel(%arg0: i32, %arg1: i32, %arg2: memref<160000xi32, #tpu.memory_space<hbm>>, %arg3: memref<2x10000x128xf32, #tpu.memory_space<hbm>>, %arg4: memref<128xi32, #tpu.memory_space<vmem>>, %arg5: memref<128x128xf32, #tpu.memory_space<vmem>>, %arg6: memref<104x128xf32, #tpu.memory_space<vmem>>, %arg7: memref<10000x128xf32, #tpu.memory_space<vmem_shared>>) attributes {dimension_semantics = [#tpu.dimension_semantics<core_parallel>, #tpu.dimension_semantics<subcore_parallel>], iteration_bounds = array<i64: 2, 16>, scalar_prefetch = 0 : i64, scratch_operands = 4 : i64, tpu.core_type = #tpu.core_type<sc_vector_subcore>, window_params = [{transform_indices = #map}, {transform_indices = #map1}]} {
    %mul3A = arith.constant 16 : i32
    %mul3A_0 = arith.muli %arg0, %mul3A : i32
    %add3A = arith.addi %mul3A_0, %arg1 : i32
    %broadcast_in_dim3A = arith.constant 1.000000e+00 : f32
    %broadcast_in_dim3A_1 = vector.broadcast %broadcast_in_dim3A : f32 to vector<16xf32>
    %scan3A = arith.constant 0 : i32
    %scan3A_2 = arith.constant 0 : i32
    %scan3A_3 = arith.constant 128 : i32
    %scan3A_4 = arith.addi %scan3A_2, %scan3A_3 : i32
    %scan3A_5 = arith.constant 1 : i32
    %scan3A_6 = scf.for %scan3A_47 = %scan3A_2 to %scan3A_4 step %scan3A_5 iter_args(%scan3A_48 = %scan3A) -> (i32)  : i32 {
      %swap3A = arith.index_cast %scan3A_47 : i32 to index
      %swap3A_49 = arith.constant 0 : index
      %swap3A_50 = tpu.vector_load %arg5[%swap3A, %swap3A_49] {strides = array<i32>} : memref<128x128xf32, #tpu.memory_space<vmem>>, vector<1x16xf32>,
      %swap3A_51 = vector.shape_cast %swap3A_50 : vector<1x16xf32> to vector<16xf32>
      %swap3A_52 = vector.shape_cast %broadcast_in_dim3A_1 : vector<16xf32> to vector<1x16xf32>
      tpu.vector_store %arg5[%swap3A, %swap3A_49], %swap3A_52 {strides = array<i32>} : memref<128x128xf32, #tpu.memory_space<vmem>>, vector<1x16xf32>,
      %swap3A_53 = arith.index_cast %scan3A_47 : i32 to index
      %swap3A_54 = arith.constant 16 : index
      %swap3A_55 = tpu.vector_load %arg5[%swap3A_53, %swap3A_54] {strides = array<i32>} : memref<128x128xf32, #tpu.memory_space<vmem>>, vector<1x16xf32>,
      %swap3A_56 = vector.shape_cast %swap3A_55 : vector<1x16xf32> to vector<16xf32>
      %swap3A_57 = vector.shape_cast %broadcast_in_dim3A_1 : vector<16xf32> to vector<1x16xf32>
      tpu.vector_store %arg5[%swap3A_53, %swap3A_54], %swap3A_57 {strides = array<i32>} : memref<128x128xf32, #tpu.memory_space<vmem>>, vector<1x16xf32>,
      %swap3A_58 = arith.index_cast %scan3A_47 : i32 to index
      %swap3A_59 = arith.constant 32 : index
      %swap3A_60 = tpu.vector_load %arg5[%swap3A_58, %swap3A_59] {strides = array<i32>} : memref<128x128xf32, #tpu.memory_space<vmem>>, vector<1x16xf32>,
      %swap3A_61 = vector.shape_cast %swap3A_60 : vector<1x16xf32> to vector<16xf32>
      %swap3A_62 = vector.shape_cast %broadcast_in_dim3A_1 : vector<16xf32> to vector<1x16xf32>
      tpu.vector_store %arg5[%swap3A_58, %swap3A_59], %swap3A_62 {strides = array<i32>} : memref<128x128xf32, #tpu.memory_space<vmem>>, vector<1x16xf32>,
      %swap3A_63 = arith.index_cast %scan3A_47 : i32 to index
      %swap3A_64 = arith.constant 48 : index
      %swap3A_65 = tpu.vector_load %arg5[%swap3A_63, %swap3A_64] {strides = array<i32>} : memref<128x128xf32, #tpu.memory_space<vmem>>, vector<1x16xf32>,
      %swap3A_66 = vector.shape_cast %swap3A_65 : vector<1x16xf32> to vector<16xf32>
      %swap3A_67 = vector.shape_cast %broadcast_in_dim3A_1 : vector<16xf32> to vector<1x16xf32>
      tpu.vector_store %arg5[%swap3A_63, %swap3A_64], %swap3A_67 {strides = array<i32>} : memref<128x128xf32, #tpu.memory_space<vmem>>, vector<1x16xf32>,
      %swap3A_68 = arith.index_cast %scan3A_47 : i32 to index
      %swap3A_69 = arith.constant 64 : index
      %swap3A_70 = tpu.vector_load %arg5[%swap3A_68, %swap3A_69] {strides = array<i32>} : memref<128x128xf32, #tpu.memory_space<vmem>>, vector<1x16xf32>,
      %swap3A_71 = vector.shape_cast %swap3A_70 : vector<1x16xf32> to vector<16xf32>
      %swap3A_72 = vector.shape_cast %broadcast_in_dim3A_1 : vector<16xf32> to vector<1x16xf32>
      tpu.vector_store %arg5[%swap3A_68, %swap3A_69], %swap3A_72 {strides = array<i32>} : memref<128x128xf32, #tpu.memory_space<vmem>>, vector<1x16xf32>,
      %swap3A_73 = arith.index_cast %scan3A_47 : i32 to index
      %swap3A_74 = arith.constant 80 : index
      %swap3A_75 = tpu.vector_load %arg5[%swap3A_73, %swap3A_74] {strides = array<i32>} : memref<128x128xf32, #tpu.memory_space<vmem>>, vector<1x16xf32>,
      %swap3A_76 = vector.shape_cast %swap3A_75 : vector<1x16xf32> to vector<16xf32>
      %swap3A_77 = vector.shape_cast %broadcast_in_dim3A_1 : vector<16xf32> to vector<1x16xf32>
      tpu.vector_store %arg5[%swap3A_73, %swap3A_74], %swap3A_77 {strides = array<i32>} : memref<128x128xf32, #tpu.memory_space<vmem>>, vector<1x16xf32>,
      %swap3A_78 = arith.index_cast %scan3A_47 : i32 to index
      %swap3A_79 = arith.constant 96 : index
      %swap3A_80 = tpu.vector_load %arg5[%swap3A_78, %swap3A_79] {strides = array<i32>} : memref<128x128xf32, #tpu.memory_space<vmem>>, vector<1x16xf32>,
      %swap3A_81 = vector.shape_cast %swap3A_80 : vector<1x16xf32> to vector<16xf32>
      %swap3A_82 = vector.shape_cast %broadcast_in_dim3A_1 : vector<16xf32> to vector<1x16xf32>
      tpu.vector_store %arg5[%swap3A_78, %swap3A_79], %swap3A_82 {strides = array<i32>} : memref<128x128xf32, #tpu.memory_space<vmem>>, vector<1x16xf32>,
      %swap3A_83 = arith.index_cast %scan3A_47 : i32 to index
      %swap3A_84 = arith.constant 112 : index
      %swap3A_85 = tpu.vector_load %arg5[%swap3A_83, %swap3A_84] {strides = array<i32>} : memref<128x128xf32, #tpu.memory_space<vmem>>, vector<1x16xf32>,
      %swap3A_86 = vector.shape_cast %swap3A_85 : vector<1x16xf32> to vector<16xf32>
      %swap3A_87 = vector.shape_cast %broadcast_in_dim3A_1 : vector<16xf32> to vector<1x16xf32>
      tpu.vector_store %arg5[%swap3A_83, %swap3A_84], %swap3A_87 {strides = array<i32>} : memref<128x128xf32, #tpu.memory_space<vmem>>, vector<1x16xf32>,
      %scan3A_88 = arith.constant 0 : i32
      scf.yield %scan3A_88 : i32
    }
    %scan3A_7 = arith.constant 128 : i32
    %broadcast_in_dim3A_8 = arith.constant 0.000000e+00 : f32
    %broadcast_in_dim3A_9 = vector.broadcast %broadcast_in_dim3A_8 : f32 to vector<16xf32>
    %scan3A_10 = arith.constant 0 : i32
    %scan3A_11 = arith.constant 0 : i32
    %scan3A_12 = arith.constant 104 : i32
    %scan3A_13 = arith.addi %scan3A_11, %scan3A_12 : i32
    %scan3A_14 = arith.constant 1 : i32
    %scan3A_15 = scf.for %scan3A_47 = %scan3A_11 to %scan3A_13 step %scan3A_14 iter_args(%scan3A_48 = %scan3A_10) -> (i32)  : i32 {
      %swap3A = arith.index_cast %scan3A_47 : i32 to index
      %swap3A_49 = arith.constant 0 : index
      %swap3A_50 = tpu.vector_load %arg6[%swap3A, %swap3A_49] {strides = array<i32>} : memref<104x128xf32, #tpu.memory_space<vmem>>, vector<1x16xf32>,
      %swap3A_51 = vector.shape_cast %swap3A_50 : vector<1x16xf32> to vector<16xf32>
      %swap3A_52 = vector.shape_cast %broadcast_in_dim3A_9 : vector<16xf32> to vector<1x16xf32>
      tpu.vector_store %arg6[%swap3A, %swap3A_49], %swap3A_52 {strides = array<i32>} : memref<104x128xf32, #tpu.memory_space<vmem>>, vector<1x16xf32>,
      %swap3A_53 = arith.index_cast %scan3A_47 : i32 to index
      %swap3A_54 = arith.constant 16 : index
      %swap3A_55 = tpu.vector_load %arg6[%swap3A_53, %swap3A_54] {strides = array<i32>} : memref<104x128xf32, #tpu.memory_space<vmem>>, vector<1x16xf32>,
      %swap3A_56 = vector.shape_cast %swap3A_55 : vector<1x16xf32> to vector<16xf32>
      %swap3A_57 = vector.shape_cast %broadcast_in_dim3A_9 : vector<16xf32> to vector<1x16xf32>
      tpu.vector_store %arg6[%swap3A_53, %swap3A_54], %swap3A_57 {strides = array<i32>} : memref<104x128xf32, #tpu.memory_space<vmem>>, vector<1x16xf32>,
      %swap3A_58 = arith.index_cast %scan3A_47 : i32 to index
      %swap3A_59 = arith.constant 32 : index
      %swap3A_60 = tpu.vector_load %arg6[%swap3A_58, %swap3A_59] {strides = array<i32>} : memref<104x128xf32, #tpu.memory_space<vmem>>, vector<1x16xf32>,
      %swap3A_61 = vector.shape_cast %swap3A_60 : vector<1x16xf32> to vector<16xf32>
      %swap3A_62 = vector.shape_cast %broadcast_in_dim3A_9 : vector<16xf32> to vector<1x16xf32>
      tpu.vector_store %arg6[%swap3A_58, %swap3A_59], %swap3A_62 {strides = array<i32>} : memref<104x128xf32, #tpu.memory_space<vmem>>, vector<1x16xf32>,
      %swap3A_63 = arith.index_cast %scan3A_47 : i32 to index
      %swap3A_64 = arith.constant 48 : index
      %swap3A_65 = tpu.vector_load %arg6[%swap3A_63, %swap3A_64] {strides = array<i32>} : memref<104x128xf32, #tpu.memory_space<vmem>>, vector<1x16xf32>,
      %swap3A_66 = vector.shape_cast %swap3A_65 : vector<1x16xf32> to vector<16xf32>
      %swap3A_67 = vector.shape_cast %broadcast_in_dim3A_9 : vector<16xf32> to vector<1x16xf32>
      tpu.vector_store %arg6[%swap3A_63, %swap3A_64], %swap3A_67 {strides = array<i32>} : memref<104x128xf32, #tpu.memory_space<vmem>>, vector<1x16xf32>,
      %swap3A_68 = arith.index_cast %scan3A_47 : i32 to index
      %swap3A_69 = arith.constant 64 : index
      %swap3A_70 = tpu.vector_load %arg6[%swap3A_68, %swap3A_69] {strides = array<i32>} : memref<104x128xf32, #tpu.memory_space<vmem>>, vector<1x16xf32>,
      %swap3A_71 = vector.shape_cast %swap3A_70 : vector<1x16xf32> to vector<16xf32>
      %swap3A_72 = vector.shape_cast %broadcast_in_dim3A_9 : vector<16xf32> to vector<1x16xf32>
      tpu.vector_store %arg6[%swap3A_68, %swap3A_69], %swap3A_72 {strides = array<i32>} : memref<104x128xf32, #tpu.memory_space<vmem>>, vector<1x16xf32>,
      %swap3A_73 = arith.index_cast %scan3A_47 : i32 to index
      %swap3A_74 = arith.constant 80 : index
      %swap3A_75 = tpu.vector_load %arg6[%swap3A_73, %swap3A_74] {strides = array<i32>} : memref<104x128xf32, #tpu.memory_space<vmem>>, vector<1x16xf32>,
      %swap3A_76 = vector.shape_cast %swap3A_75 : vector<1x16xf32> to vector<16xf32>
      %swap3A_77 = vector.shape_cast %broadcast_in_dim3A_9 : vector<16xf32> to vector<1x16xf32>
      tpu.vector_store %arg6[%swap3A_73, %swap3A_74], %swap3A_77 {strides = array<i32>} : memref<104x128xf32, #tpu.memory_space<vmem>>, vector<1x16xf32>,
      %swap3A_78 = arith.index_cast %scan3A_47 : i32 to index
      %swap3A_79 = arith.constant 96 : index
      %swap3A_80 = tpu.vector_load %arg6[%swap3A_78, %swap3A_79] {strides = array<i32>} : memref<104x128xf32, #tpu.memory_space<vmem>>, vector<1x16xf32>,
      %swap3A_81 = vector.shape_cast %swap3A_80 : vector<1x16xf32> to vector<16xf32>
      %swap3A_82 = vector.shape_cast %broadcast_in_dim3A_9 : vector<16xf32> to vector<1x16xf32>
      tpu.vector_store %arg6[%swap3A_78, %swap3A_79], %swap3A_82 {strides = array<i32>} : memref<104x128xf32, #tpu.memory_space<vmem>>, vector<1x16xf32>,
      %swap3A_83 = arith.index_cast %scan3A_47 : i32 to index
      %swap3A_84 = arith.constant 112 : index
      %swap3A_85 = tpu.vector_load %arg6[%swap3A_83, %swap3A_84] {strides = array<i32>} : memref<104x128xf32, #tpu.memory_space<vmem>>, vector<1x16xf32>,
      %swap3A_86 = vector.shape_cast %swap3A_85 : vector<1x16xf32> to vector<16xf32>
      %swap3A_87 = vector.shape_cast %broadcast_in_dim3A_9 : vector<16xf32> to vector<1x16xf32>
      tpu.vector_store %arg6[%swap3A_83, %swap3A_84], %swap3A_87 {strides = array<i32>} : memref<104x128xf32, #tpu.memory_space<vmem>>, vector<1x16xf32>,
      %scan3A_88 = arith.constant 0 : i32
      scf.yield %scan3A_88 : i32
    }
    %scan3A_16 = arith.constant 104 : i32
    %scan3A_17 = arith.constant 0 : i32
    %scan3A_18 = arith.constant 0 : i32
    %scan3A_19 = arith.constant 6 : i32
    %scan3A_20 = arith.addi %scan3A_18, %scan3A_19 : i32
    %scan3A_21 = arith.constant 1 : i32
    %scan3A_22 = scf.for %scan3A_47 = %scan3A_18 to %scan3A_20 step %scan3A_21 iter_args(%scan3A_48 = %scan3A_17) -> (i32)  : i32 {
      %mul3A_49 = arith.constant 624 : i32
      %mul3A_50 = arith.muli %arg1, %mul3A_49 : i32
      %mul3A_51 = arith.constant 104 : i32
      %mul3A_52 = arith.muli %scan3A_47, %mul3A_51 : i32
      %add3A_53 = arith.addi %mul3A_50, %mul3A_52 : i32
      "tpu.region"() ({
        %run_scoped3A = tpu.sem_alloc : memref<!tpu.dma_semaphore, #tpu.memory_space<semaphore_mem>>
        %dma_start3A = arith.constant 0 : i32
        %dma_start3A_55 = tpu.memref_slice %arg7[%add3A_53, %dma_start3A] : memref<10000x128xf32, #tpu.memory_space<vmem_shared>> -> memref<104x128xf32, #tpu.memory_space<vmem_shared>>
        %dma_start3A_56 = arith.constant 0 : i32
        %dma_start3A_57 = tpu.memref_slice %arg7[%add3A_53, %dma_start3A_56] : memref<10000x128xf32, #tpu.memory_space<vmem_shared>> -> memref<104x128xf32, #tpu.memory_space<vmem_shared>>
        tpu.enqueue_dma source(%arg6 : memref<104x128xf32, #tpu.memory_space<vmem>>) target(%dma_start3A_57 : memref<104x128xf32, #tpu.memory_space<vmem_shared>>) target_semaphore(%run_scoped3A : memref<!tpu.dma_semaphore, #tpu.memory_space<semaphore_mem>>)
        %dma_wait3A = arith.constant 0 : i32
        %dma_wait3A_58 = tpu.memref_slice %arg7[%add3A_53, %dma_wait3A] : memref<10000x128xf32, #tpu.memory_space<vmem_shared>> -> memref<104x128xf32, #tpu.memory_space<vmem_shared>>
        %dma_wait3A_59 = arith.constant 0 : i32
        %dma_wait3A_60 = tpu.memref_slice %arg7[%add3A_53, %dma_wait3A_59] : memref<10000x128xf32, #tpu.memory_space<vmem_shared>> -> memref<104x128xf32, #tpu.memory_space<vmem_shared>>
        tpu.wait_dma2 semaphore(%run_scoped3A : memref<!tpu.dma_semaphore, #tpu.memory_space<semaphore_mem>>) src(%arg6 : memref<104x128xf32, #tpu.memory_space<vmem>>) dst(%dma_wait3A_60 : memref<104x128xf32, #tpu.memory_space<vmem_shared>>)
        tpu.yield
      }) : () -> ()
      %scan3A_54 = arith.constant 0 : i32
      scf.yield %scan3A_54 : i32
    }
    %scan3A_23 = arith.constant 6 : i32
    %eq3A = arith.constant 15 : i32
    %eq3A_24 = arith.cmpi eq, %arg1, %eq3A : i32
    %convert_element_type3A = arith.extui %eq3A_24 : i1 to i32
    %cond3A = arith.constant 0 : i32
    %cond3A_25 = arith.cmpi ne, %convert_element_type3A, %cond3A : i32
    scf.if %cond3A_25 {
      "tpu.region"() ({
        %run_scoped3A = tpu.sem_alloc : memref<!tpu.dma_semaphore, #tpu.memory_space<semaphore_mem>>
        %dma_start3A = arith.constant 0 : i32
        %dma_start3A_47 = arith.constant 0 : i32
        %dma_start3A_48 = tpu.memref_slice %arg6[%dma_start3A, %dma_start3A_47] : memref<104x128xf32, #tpu.memory_space<vmem>> -> memref<16x128xf32, #tpu.memory_space<vmem>>
        %dma_start3A_49 = arith.constant 9984 : i32
        %dma_start3A_50 = arith.constant 0 : i32
        %dma_start3A_51 = tpu.memref_slice %arg7[%dma_start3A_49, %dma_start3A_50] : memref<10000x128xf32, #tpu.memory_space<vmem_shared>> -> memref<16x128xf32, #tpu.memory_space<vmem_shared>>
        %dma_start3A_52 = arith.constant 9984 : i32
        %dma_start3A_53 = arith.constant 0 : i32
        %dma_start3A_54 = tpu.memref_slice %arg7[%dma_start3A_52, %dma_start3A_53] : memref<10000x128xf32, #tpu.memory_space<vmem_shared>> -> memref<16x128xf32, #tpu.memory_space<vmem_shared>>
        %dma_start3A_55 = arith.constant 0 : i32
        %dma_start3A_56 = arith.constant 0 : i32
        %dma_start3A_57 = tpu.memref_slice %arg6[%dma_start3A_55, %dma_start3A_56] : memref<104x128xf32, #tpu.memory_space<vmem>> -> memref<16x128xf32, #tpu.memory_space<vmem>>
        tpu.enqueue_dma source(%dma_start3A_57 : memref<16x128xf32, #tpu.memory_space<vmem>>) target(%dma_start3A_54 : memref<16x128xf32, #tpu.memory_space<vmem_shared>>) target_semaphore(%run_scoped3A : memref<!tpu.dma_semaphore, #tpu.memory_space<semaphore_mem>>)
        %dma_wait3A = arith.constant 0 : i32
        %dma_wait3A_58 = arith.constant 0 : i32
        %dma_wait3A_59 = tpu.memref_slice %arg6[%dma_wait3A, %dma_wait3A_58] : memref<104x128xf32, #tpu.memory_space<vmem>> -> memref<16x128xf32, #tpu.memory_space<vmem>>
        %dma_wait3A_60 = arith.constant 9984 : i32
        %dma_wait3A_61 = arith.constant 0 : i32
        %dma_wait3A_62 = tpu.memref_slice %arg7[%dma_wait3A_60, %dma_wait3A_61] : memref<10000x128xf32, #tpu.memory_space<vmem_shared>> -> memref<16x128xf32, #tpu.memory_space<vmem_shared>>
        %dma_wait3A_63 = arith.constant 9984 : i32
        %dma_wait3A_64 = arith.constant 0 : i32
        %dma_wait3A_65 = tpu.memref_slice %arg7[%dma_wait3A_63, %dma_wait3A_64] : memref<10000x128xf32, #tpu.memory_space<vmem_shared>> -> memref<16x128xf32, #tpu.memory_space<vmem_shared>>
        %dma_wait3A_66 = arith.constant 0 : i32
        %dma_wait3A_67 = arith.constant 0 : i32
        %dma_wait3A_68 = tpu.memref_slice %arg6[%dma_wait3A_66, %dma_wait3A_67] : memref<104x128xf32, #tpu.memory_space<vmem>> -> memref<16x128xf32, #tpu.memory_space<vmem>>
        tpu.wait_dma2 semaphore(%run_scoped3A : memref<!tpu.dma_semaphore, #tpu.memory_space<semaphore_mem>>) src(%dma_wait3A_68 : memref<16x128xf32, #tpu.memory_space<vmem>>) dst(%dma_wait3A_65 : memref<16x128xf32, #tpu.memory_space<vmem_shared>>)
        tpu.yield
      }) : () -> ()
    } else {
    }
    %barrier3A = arith.constant 0 : index
    tpu.barrier barrier_id(%barrier3A)
    %scan3A_26 = arith.constant 0 : i32
    %scan3A_27 = arith.constant 0 : i32
    %scan3A_28 = arith.constant 39 : i32
    %scan3A_29 = arith.addi %scan3A_27, %scan3A_28 : i32
    %scan3A_30 = arith.constant 1 : i32
    %scan3A_31 = scf.for %scan3A_47 = %scan3A_27 to %scan3A_29 step %scan3A_30 iter_args(%scan3A_48 = %scan3A_26) -> (i32)  : i32 {
      %mul3A_49 = arith.constant 4992 : i32
      %mul3A_50 = arith.muli %add3A, %mul3A_49 : i32
      %mul3A_51 = arith.constant 128 : i32
      %mul3A_52 = arith.muli %scan3A_47, %mul3A_51 : i32
      %add3A_53 = arith.addi %mul3A_50, %mul3A_52 : i32
      "tpu.region"() ({
        %run_scoped3A = tpu.sem_alloc : memref<!tpu.dma_semaphore, #tpu.memory_space<semaphore_mem>>
        %dma_start3A = tpu.memref_slice %arg2[%add3A_53] : memref<160000xi32, #tpu.memory_space<hbm>> -> memref<128xi32, #tpu.memory_space<hbm>>
        %dma_start3A_55 = tpu.memref_slice %arg2[%add3A_53] : memref<160000xi32, #tpu.memory_space<hbm>> -> memref<128xi32, #tpu.memory_space<hbm>>
        tpu.enqueue_dma source(%dma_start3A_55 : memref<128xi32, #tpu.memory_space<hbm>>) target(%arg4 : memref<128xi32, #tpu.memory_space<vmem>>) target_semaphore(%run_scoped3A : memref<!tpu.dma_semaphore, #tpu.memory_space<semaphore_mem>>)
        %dma_wait3A = tpu.memref_slice %arg2[%add3A_53] : memref<160000xi32, #tpu.memory_space<hbm>> -> memref<128xi32, #tpu.memory_space<hbm>>
        %dma_wait3A_56 = tpu.memref_slice %arg2[%add3A_53] : memref<160000xi32, #tpu.memory_space<hbm>> -> memref<128xi32, #tpu.memory_space<hbm>>
        tpu.wait_dma2 semaphore(%run_scoped3A : memref<!tpu.dma_semaphore, #tpu.memory_space<semaphore_mem>>) src(%dma_wait3A_56 : memref<128xi32, #tpu.memory_space<hbm>>) dst(%arg4 : memref<128xi32, #tpu.memory_space<vmem>>)
        tpu.yield
      }) : () -> ()
      "tpu.region"() ({
        %run_scoped3A = tpu.sem_alloc : memref<!tpu.dma_semaphore, #tpu.memory_space<semaphore_mem>>
        %dma_start3A = arith.constant 0 : i32
        %dma_start3A_55 = arith.constant 0 : i32
        %dma_start3A_56 = tpu.memref_slice %arg7[%dma_start3A, %dma_start3A_55] : memref<10000x128xf32, #tpu.memory_space<vmem_shared>> -> memref<10000x128xf32, #tpu.memory_space<vmem_shared>>
        tpu.enqueue_indirect_dma source(%arg5 : memref<128x128xf32, #tpu.memory_space<vmem>>) target(%dma_start3A_56 : memref<10000x128xf32, #tpu.memory_space<vmem_shared>>) offsets(%arg4 : memref<128xi32, #tpu.memory_space<vmem>>) semaphore(%run_scoped3A : memref<!tpu.dma_semaphore, #tpu.memory_space<semaphore_mem>>) {add = true}
        %dma_wait3A = arith.constant 0 : i32
        %dma_wait3A_57 = arith.constant 0 : i32
        %dma_wait3A_58 = tpu.memref_slice %arg7[%dma_wait3A, %dma_wait3A_57] : memref<10000x128xf32, #tpu.memory_space<vmem_shared>> -> memref<10000x128xf32, #tpu.memory_space<vmem_shared>>
        tpu.wait_indirect_dma semaphore(%run_scoped3A : memref<!tpu.dma_semaphore, #tpu.memory_space<semaphore_mem>>) src(%arg5 : memref<128x128xf32, #tpu.memory_space<vmem>>) dst(%dma_wait3A_58 : memref<10000x128xf32, #tpu.memory_space<vmem_shared>>)
        tpu.yield
      }) : () -> ()
      %scan3A_54 = arith.constant 0 : i32
      scf.yield %scan3A_54 : i32
    }
    %scan3A_32 = arith.constant 39 : i32
    %lt3A = arith.constant 2 : i32
    %lt3A_33 = arith.cmpi slt, %add3A, %lt3A : i32
    %convert_element_type3A_34 = arith.extui %lt3A_33 : i1 to i32
    %cond3A_35 = arith.constant 0 : i32
    %cond3A_36 = arith.cmpi ne, %convert_element_type3A_34, %cond3A_35 : i32
    scf.if %cond3A_36 {
      %mul3A_47 = arith.constant 128 : i32
      %mul3A_48 = arith.muli %add3A, %mul3A_47 : i32
      %add3A_49 = arith.constant 159744 : i32
      %add3A_50 = arith.addi %add3A_49, %mul3A_48 : i32
      "tpu.region"() ({
        %run_scoped3A = tpu.sem_alloc : memref<!tpu.dma_semaphore, #tpu.memory_space<semaphore_mem>>
        %dma_start3A = tpu.memref_slice %arg2[%add3A_50] : memref<160000xi32, #tpu.memory_space<hbm>> -> memref<128xi32, #tpu.memory_space<hbm>>
        %dma_start3A_51 = tpu.memref_slice %arg2[%add3A_50] : memref<160000xi32, #tpu.memory_space<hbm>> -> memref<128xi32, #tpu.memory_space<hbm>>
        tpu.enqueue_dma source(%dma_start3A_51 : memref<128xi32, #tpu.memory_space<hbm>>) target(%arg4 : memref<128xi32, #tpu.memory_space<vmem>>) target_semaphore(%run_scoped3A : memref<!tpu.dma_semaphore, #tpu.memory_space<semaphore_mem>>)
        %dma_wait3A = tpu.memref_slice %arg2[%add3A_50] : memref<160000xi32, #tpu.memory_space<hbm>> -> memref<128xi32, #tpu.memory_space<hbm>>
        %dma_wait3A_52 = tpu.memref_slice %arg2[%add3A_50] : memref<160000xi32, #tpu.memory_space<hbm>> -> memref<128xi32, #tpu.memory_space<hbm>>
        tpu.wait_dma2 semaphore(%run_scoped3A : memref<!tpu.dma_semaphore, #tpu.memory_space<semaphore_mem>>) src(%dma_wait3A_52 : memref<128xi32, #tpu.memory_space<hbm>>) dst(%arg4 : memref<128xi32, #tpu.memory_space<vmem>>)
        tpu.yield
      }) : () -> ()
      "tpu.region"() ({
        %run_scoped3A = tpu.sem_alloc : memref<!tpu.dma_semaphore, #tpu.memory_space<semaphore_mem>>
        %dma_start3A = arith.constant 0 : i32
        %dma_start3A_51 = arith.constant 0 : i32
        %dma_start3A_52 = tpu.memref_slice %arg7[%dma_start3A, %dma_start3A_51] : memref<10000x128xf32, #tpu.memory_space<vmem_shared>> -> memref<10000x128xf32, #tpu.memory_space<vmem_shared>>
        tpu.enqueue_indirect_dma source(%arg5 : memref<128x128xf32, #tpu.memory_space<vmem>>) target(%dma_start3A_52 : memref<10000x128xf32, #tpu.memory_space<vmem_shared>>) offsets(%arg4 : memref<128xi32, #tpu.memory_space<vmem>>) semaphore(%run_scoped3A : memref<!tpu.dma_semaphore, #tpu.memory_space<semaphore_mem>>) {add = true}
        %dma_wait3A = arith.constant 0 : i32
        %dma_wait3A_53 = arith.constant 0 : i32
        %dma_wait3A_54 = tpu.memref_slice %arg7[%dma_wait3A, %dma_wait3A_53] : memref<10000x128xf32, #tpu.memory_space<vmem_shared>> -> memref<10000x128xf32, #tpu.memory_space<vmem_shared>>
        tpu.wait_indirect_dma semaphore(%run_scoped3A : memref<!tpu.dma_semaphore, #tpu.memory_space<semaphore_mem>>) src(%arg5 : memref<128x128xf32, #tpu.memory_space<vmem>>) dst(%dma_wait3A_54 : memref<10000x128xf32, #tpu.memory_space<vmem_shared>>)
        tpu.yield
      }) : () -> ()
    } else {
    }
    %barrier3A_37 = arith.constant 0 : index
    tpu.barrier barrier_id(%barrier3A_37)
    %mul3A_38 = arith.constant 624 : i32
    %mul3A_39 = arith.muli %arg1, %mul3A_38 : i32
    %mul3A_40 = arith.constant 624 : i32
    %mul3A_41 = arith.muli %arg1, %mul3A_40 : i32
    "tpu.region"() ({
      %run_scoped3A = tpu.sem_alloc : memref<!tpu.dma_semaphore, #tpu.memory_space<semaphore_mem>>
      %dma_start3A = arith.constant 0 : i32
      %dma_start3A_47 = tpu.memref_slice %arg3[%arg0, %mul3A_41, %dma_start3A] : memref<2x10000x128xf32, #tpu.memory_space<hbm>> -> memref<1x624x128xf32, #tpu.memory_space<hbm>>
      %dma_start3A_48 = tpu.memref_squeeze %dma_start3A_47 : memref<1x624x128xf32, #tpu.memory_space<hbm>> -> memref<624x128xf32, #tpu.memory_space<hbm>>
      %dma_start3A_49 = arith.constant 0 : i32
      %dma_start3A_50 = tpu.memref_slice %arg7[%mul3A_39, %dma_start3A_49] : memref<10000x128xf32, #tpu.memory_space<vmem_shared>> -> memref<624x128xf32, #tpu.memory_space<vmem_shared>>
      tpu.enqueue_dma source(%dma_start3A_50 : memref<624x128xf32, #tpu.memory_space<vmem_shared>>) target(%dma_start3A_48 : memref<624x128xf32, #tpu.memory_space<hbm>>) target_semaphore(%run_scoped3A : memref<!tpu.dma_semaphore, #tpu.memory_space<semaphore_mem>>)
      %dma_wait3A = arith.constant 0 : i32
      %dma_wait3A_51 = tpu.memref_slice %arg3[%arg0, %mul3A_41, %dma_wait3A] : memref<2x10000x128xf32, #tpu.memory_space<hbm>> -> memref<1x624x128xf32, #tpu.memory_space<hbm>>
      %dma_wait3A_52 = tpu.memref_squeeze %dma_wait3A_51 : memref<1x624x128xf32, #tpu.memory_space<hbm>> -> memref<624x128xf32, #tpu.memory_space<hbm>>
      %dma_wait3A_53 = arith.constant 0 : i32
      %dma_wait3A_54 = tpu.memref_slice %arg7[%mul3A_39, %dma_wait3A_53] : memref<10000x128xf32, #tpu.memory_space<vmem_shared>> -> memref<624x128xf32, #tpu.memory_space<vmem_shared>>
      tpu.wait_dma2 semaphore(%run_scoped3A : memref<!tpu.dma_semaphore, #tpu.memory_space<semaphore_mem>>) src(%dma_wait3A_54 : memref<624x128xf32, #tpu.memory_space<vmem_shared>>) dst(%dma_wait3A_52 : memref<624x128xf32, #tpu.memory_space<hbm>>)
      tpu.yield
    }) : () -> ()
    %eq3A_42 = arith.constant 15 : i32
    %eq3A_43 = arith.cmpi eq, %arg1, %eq3A_42 : i32
    %convert_element_type3A_44 = arith.extui %eq3A_43 : i1 to i32
    %cond3A_45 = arith.constant 0 : i32
    %cond3A_46 = arith.cmpi ne, %convert_element_type3A_44, %cond3A_45 : i32
    scf.if %cond3A_46 {
      "tpu.region"() ({
        %run_scoped3A = tpu.sem_alloc : memref<!tpu.dma_semaphore, #tpu.memory_space<semaphore_mem>>
        %dma_start3A = arith.constant 9984 : i32
        %dma_start3A_47 = arith.constant 0 : i32
        %dma_start3A_48 = tpu.memref_slice %arg3[%arg0, %dma_start3A, %dma_start3A_47] : memref<2x10000x128xf32, #tpu.memory_space<hbm>> -> memref<1x16x128xf32, #tpu.memory_space<hbm>>
        %dma_start3A_49 = tpu.memref_squeeze %dma_start3A_48 : memref<1x16x128xf32, #tpu.memory_space<hbm>> -> memref<16x128xf32, #tpu.memory_space<hbm>>
        %dma_start3A_50 = arith.constant 9984 : i32
        %dma_start3A_51 = arith.constant 0 : i32
        %dma_start3A_52 = tpu.memref_slice %arg7[%dma_start3A_50, %dma_start3A_51] : memref<10000x128xf32, #tpu.memory_space<vmem_shared>> -> memref<16x128xf32, #tpu.memory_space<vmem_shared>>
        tpu.enqueue_dma source(%dma_start3A_52 : memref<16x128xf32, #tpu.memory_space<vmem_shared>>) target(%dma_start3A_49 : memref<16x128xf32, #tpu.memory_space<hbm>>) target_semaphore(%run_scoped3A : memref<!tpu.dma_semaphore, #tpu.memory_space<semaphore_mem>>)
        %dma_wait3A = arith.constant 9984 : i32
        %dma_wait3A_53 = arith.constant 0 : i32
        %dma_wait3A_54 = tpu.memref_slice %arg3[%arg0, %dma_wait3A, %dma_wait3A_53] : memref<2x10000x128xf32, #tpu.memory_space<hbm>> -> memref<1x16x128xf32, #tpu.memory_space<hbm>>
        %dma_wait3A_55 = tpu.memref_squeeze %dma_wait3A_54 : memref<1x16x128xf32, #tpu.memory_space<hbm>> -> memref<16x128xf32, #tpu.memory_space<hbm>>
        %dma_wait3A_56 = arith.constant 9984 : i32
        %dma_wait3A_57 = arith.constant 0 : i32
        %dma_wait3A_58 = tpu.memref_slice %arg7[%dma_wait3A_56, %dma_wait3A_57] : memref<10000x128xf32, #tpu.memory_space<vmem_shared>> -> memref<16x128xf32, #tpu.memory_space<vmem_shared>>
        tpu.wait_dma2 semaphore(%run_scoped3A : memref<!tpu.dma_semaphore, #tpu.memory_space<semaphore_mem>>) src(%dma_wait3A_58 : memref<16x128xf32, #tpu.memory_space<vmem_shared>>) dst(%dma_wait3A_55 : memref<16x128xf32, #tpu.memory_space<hbm>>)
        tpu.yield
      }) : () -> ()
    } else {
    }
    return
  }
}

#map = affine_map<(d0, d1) -> (0, 0)>
#map1 = affine_map<(d0, d1) -> (0)>
#map2 = affine_map<(d0, d1) -> (0, 0, 0)>
module attributes {stable_mosaic.version = 14 : i64} {
  func.func @prop_kernel(%arg0: i32, %arg1: i32, %arg2: memref<10000x128xf32, #tpu.memory_space<hbm>>, %arg3: memref<160000xi32, #tpu.memory_space<hbm>>, %arg4: memref<160000xi32, #tpu.memory_space<hbm>>, %arg5: memref<2x10000x128xf32, #tpu.memory_space<hbm>>, %arg6: memref<128xi32, #tpu.memory_space<vmem>>, %arg7: memref<128xi32, #tpu.memory_space<vmem>>, %arg8: memref<128x128xf32, #tpu.memory_space<vmem>>, %arg9: memref<104x128xf32, #tpu.memory_space<vmem>>, %arg10: memref<10000x128xf32, #tpu.memory_space<vmem_shared>>, %arg11: memref<!tpu.dma_semaphore, #tpu.memory_space<semaphore_mem>>) attributes {dimension_semantics = [#tpu.dimension_semantics<core_parallel>, #tpu.dimension_semantics<subcore_parallel>], iteration_bounds = array<i64: 2, 16>, scalar_prefetch = 0 : i64, scratch_operands = 6 : i64, tpu.core_type = #tpu.core_type<sc_vector_subcore>, window_params = [{transform_indices = #map}, {transform_indices = #map1}, {transform_indices = #map1}, {transform_indices = #map2}]} {
    %mul3A = arith.constant 16 : i32
    %mul3A_0 = arith.muli %arg0, %mul3A : i32
    %add3A = arith.addi %mul3A_0, %arg1 : i32
    %broadcast_in_dim3A = arith.constant 0.000000e+00 : f32
    %broadcast_in_dim3A_1 = vector.broadcast %broadcast_in_dim3A : f32 to vector<16xf32>
    %scan3A = arith.constant 0 : i32
    %scan3A_2 = arith.constant 0 : i32
    %scan3A_3 = arith.constant 104 : i32
    %scan3A_4 = arith.addi %scan3A_2, %scan3A_3 : i32
    %scan3A_5 = arith.constant 1 : i32
    %scan3A_6 = scf.for %scan3A_38 = %scan3A_2 to %scan3A_4 step %scan3A_5 iter_args(%scan3A_39 = %scan3A) -> (i32)  : i32 {
      %swap3A = arith.index_cast %scan3A_38 : i32 to index
      %swap3A_40 = arith.constant 0 : index
      %swap3A_41 = tpu.vector_load %arg9[%swap3A, %swap3A_40] {strides = array<i32>} : memref<104x128xf32, #tpu.memory_space<vmem>>, vector<1x16xf32>,
      %swap3A_42 = vector.shape_cast %swap3A_41 : vector<1x16xf32> to vector<16xf32>
      %swap3A_43 = vector.shape_cast %broadcast_in_dim3A_1 : vector<16xf32> to vector<1x16xf32>
      tpu.vector_store %arg9[%swap3A, %swap3A_40], %swap3A_43 {strides = array<i32>} : memref<104x128xf32, #tpu.memory_space<vmem>>, vector<1x16xf32>,
      %swap3A_44 = arith.index_cast %scan3A_38 : i32 to index
      %swap3A_45 = arith.constant 16 : index
      %swap3A_46 = tpu.vector_load %arg9[%swap3A_44, %swap3A_45] {strides = array<i32>} : memref<104x128xf32, #tpu.memory_space<vmem>>, vector<1x16xf32>,
      %swap3A_47 = vector.shape_cast %swap3A_46 : vector<1x16xf32> to vector<16xf32>
      %swap3A_48 = vector.shape_cast %broadcast_in_dim3A_1 : vector<16xf32> to vector<1x16xf32>
      tpu.vector_store %arg9[%swap3A_44, %swap3A_45], %swap3A_48 {strides = array<i32>} : memref<104x128xf32, #tpu.memory_space<vmem>>, vector<1x16xf32>,
      %swap3A_49 = arith.index_cast %scan3A_38 : i32 to index
      %swap3A_50 = arith.constant 32 : index
      %swap3A_51 = tpu.vector_load %arg9[%swap3A_49, %swap3A_50] {strides = array<i32>} : memref<104x128xf32, #tpu.memory_space<vmem>>, vector<1x16xf32>,
      %swap3A_52 = vector.shape_cast %swap3A_51 : vector<1x16xf32> to vector<16xf32>
      %swap3A_53 = vector.shape_cast %broadcast_in_dim3A_1 : vector<16xf32> to vector<1x16xf32>
      tpu.vector_store %arg9[%swap3A_49, %swap3A_50], %swap3A_53 {strides = array<i32>} : memref<104x128xf32, #tpu.memory_space<vmem>>, vector<1x16xf32>,
      %swap3A_54 = arith.index_cast %scan3A_38 : i32 to index
      %swap3A_55 = arith.constant 48 : index
      %swap3A_56 = tpu.vector_load %arg9[%swap3A_54, %swap3A_55] {strides = array<i32>} : memref<104x128xf32, #tpu.memory_space<vmem>>, vector<1x16xf32>,
      %swap3A_57 = vector.shape_cast %swap3A_56 : vector<1x16xf32> to vector<16xf32>
      %swap3A_58 = vector.shape_cast %broadcast_in_dim3A_1 : vector<16xf32> to vector<1x16xf32>
      tpu.vector_store %arg9[%swap3A_54, %swap3A_55], %swap3A_58 {strides = array<i32>} : memref<104x128xf32, #tpu.memory_space<vmem>>, vector<1x16xf32>,
      %swap3A_59 = arith.index_cast %scan3A_38 : i32 to index
      %swap3A_60 = arith.constant 64 : index
      %swap3A_61 = tpu.vector_load %arg9[%swap3A_59, %swap3A_60] {strides = array<i32>} : memref<104x128xf32, #tpu.memory_space<vmem>>, vector<1x16xf32>,
      %swap3A_62 = vector.shape_cast %swap3A_61 : vector<1x16xf32> to vector<16xf32>
      %swap3A_63 = vector.shape_cast %broadcast_in_dim3A_1 : vector<16xf32> to vector<1x16xf32>
      tpu.vector_store %arg9[%swap3A_59, %swap3A_60], %swap3A_63 {strides = array<i32>} : memref<104x128xf32, #tpu.memory_space<vmem>>, vector<1x16xf32>,
      %swap3A_64 = arith.index_cast %scan3A_38 : i32 to index
      %swap3A_65 = arith.constant 80 : index
      %swap3A_66 = tpu.vector_load %arg9[%swap3A_64, %swap3A_65] {strides = array<i32>} : memref<104x128xf32, #tpu.memory_space<vmem>>, vector<1x16xf32>,
      %swap3A_67 = vector.shape_cast %swap3A_66 : vector<1x16xf32> to vector<16xf32>
      %swap3A_68 = vector.shape_cast %broadcast_in_dim3A_1 : vector<16xf32> to vector<1x16xf32>
      tpu.vector_store %arg9[%swap3A_64, %swap3A_65], %swap3A_68 {strides = array<i32>} : memref<104x128xf32, #tpu.memory_space<vmem>>, vector<1x16xf32>,
      %swap3A_69 = arith.index_cast %scan3A_38 : i32 to index
      %swap3A_70 = arith.constant 96 : index
      %swap3A_71 = tpu.vector_load %arg9[%swap3A_69, %swap3A_70] {strides = array<i32>} : memref<104x128xf32, #tpu.memory_space<vmem>>, vector<1x16xf32>,
      %swap3A_72 = vector.shape_cast %swap3A_71 : vector<1x16xf32> to vector<16xf32>
      %swap3A_73 = vector.shape_cast %broadcast_in_dim3A_1 : vector<16xf32> to vector<1x16xf32>
      tpu.vector_store %arg9[%swap3A_69, %swap3A_70], %swap3A_73 {strides = array<i32>} : memref<104x128xf32, #tpu.memory_space<vmem>>, vector<1x16xf32>,
      %swap3A_74 = arith.index_cast %scan3A_38 : i32 to index
      %swap3A_75 = arith.constant 112 : index
      %swap3A_76 = tpu.vector_load %arg9[%swap3A_74, %swap3A_75] {strides = array<i32>} : memref<104x128xf32, #tpu.memory_space<vmem>>, vector<1x16xf32>,
      %swap3A_77 = vector.shape_cast %swap3A_76 : vector<1x16xf32> to vector<16xf32>
      %swap3A_78 = vector.shape_cast %broadcast_in_dim3A_1 : vector<16xf32> to vector<1x16xf32>
      tpu.vector_store %arg9[%swap3A_74, %swap3A_75], %swap3A_78 {strides = array<i32>} : memref<104x128xf32, #tpu.memory_space<vmem>>, vector<1x16xf32>,
      %scan3A_79 = arith.constant 0 : i32
      scf.yield %scan3A_79 : i32
    }
    %scan3A_7 = arith.constant 104 : i32
    %scan3A_8 = arith.constant 0 : i32
    %scan3A_9 = arith.constant 0 : i32
    %scan3A_10 = arith.constant 6 : i32
    %scan3A_11 = arith.addi %scan3A_9, %scan3A_10 : i32
    %scan3A_12 = arith.constant 1 : i32
    %scan3A_13 = scf.for %scan3A_38 = %scan3A_9 to %scan3A_11 step %scan3A_12 iter_args(%scan3A_39 = %scan3A_8) -> (i32)  : i32 {
      %mul3A_40 = arith.constant 624 : i32
      %mul3A_41 = arith.muli %arg1, %mul3A_40 : i32
      %mul3A_42 = arith.constant 104 : i32
      %mul3A_43 = arith.muli %scan3A_38, %mul3A_42 : i32
      %add3A_44 = arith.addi %mul3A_41, %mul3A_43 : i32
      "tpu.region"() ({
        %run_scoped3A = tpu.sem_alloc : memref<!tpu.dma_semaphore, #tpu.memory_space<semaphore_mem>>
        %dma_start3A = arith.constant 0 : i32
        %dma_start3A_46 = tpu.memref_slice %arg10[%add3A_44, %dma_start3A] : memref<10000x128xf32, #tpu.memory_space<vmem_shared>> -> memref<104x128xf32, #tpu.memory_space<vmem_shared>>
        %dma_start3A_47 = arith.constant 0 : i32
        %dma_start3A_48 = tpu.memref_slice %arg10[%add3A_44, %dma_start3A_47] : memref<10000x128xf32, #tpu.memory_space<vmem_shared>> -> memref<104x128xf32, #tpu.memory_space<vmem_shared>>
        tpu.enqueue_dma source(%arg9 : memref<104x128xf32, #tpu.memory_space<vmem>>) target(%dma_start3A_48 : memref<104x128xf32, #tpu.memory_space<vmem_shared>>) target_semaphore(%run_scoped3A : memref<!tpu.dma_semaphore, #tpu.memory_space<semaphore_mem>>)
        %dma_wait3A = arith.constant 0 : i32
        %dma_wait3A_49 = tpu.memref_slice %arg10[%add3A_44, %dma_wait3A] : memref<10000x128xf32, #tpu.memory_space<vmem_shared>> -> memref<104x128xf32, #tpu.memory_space<vmem_shared>>
        %dma_wait3A_50 = arith.constant 0 : i32
        %dma_wait3A_51 = tpu.memref_slice %arg10[%add3A_44, %dma_wait3A_50] : memref<10000x128xf32, #tpu.memory_space<vmem_shared>> -> memref<104x128xf32, #tpu.memory_space<vmem_shared>>
        tpu.wait_dma2 semaphore(%run_scoped3A : memref<!tpu.dma_semaphore, #tpu.memory_space<semaphore_mem>>) src(%arg9 : memref<104x128xf32, #tpu.memory_space<vmem>>) dst(%dma_wait3A_51 : memref<104x128xf32, #tpu.memory_space<vmem_shared>>)
        tpu.yield
      }) : () -> ()
      %scan3A_45 = arith.constant 0 : i32
      scf.yield %scan3A_45 : i32
    }
    %scan3A_14 = arith.constant 6 : i32
    %eq3A = arith.constant 15 : i32
    %eq3A_15 = arith.cmpi eq, %arg1, %eq3A : i32
    %convert_element_type3A = arith.extui %eq3A_15 : i1 to i32
    %cond3A = arith.constant 0 : i32
    %cond3A_16 = arith.cmpi ne, %convert_element_type3A, %cond3A : i32
    scf.if %cond3A_16 {
      "tpu.region"() ({
        %run_scoped3A = tpu.sem_alloc : memref<!tpu.dma_semaphore, #tpu.memory_space<semaphore_mem>>
        %dma_start3A = arith.constant 0 : i32
        %dma_start3A_38 = arith.constant 0 : i32
        %dma_start3A_39 = tpu.memref_slice %arg9[%dma_start3A, %dma_start3A_38] : memref<104x128xf32, #tpu.memory_space<vmem>> -> memref<16x128xf32, #tpu.memory_space<vmem>>
        %dma_start3A_40 = arith.constant 9984 : i32
        %dma_start3A_41 = arith.constant 0 : i32
        %dma_start3A_42 = tpu.memref_slice %arg10[%dma_start3A_40, %dma_start3A_41] : memref<10000x128xf32, #tpu.memory_space<vmem_shared>> -> memref<16x128xf32, #tpu.memory_space<vmem_shared>>
        %dma_start3A_43 = arith.constant 9984 : i32
        %dma_start3A_44 = arith.constant 0 : i32
        %dma_start3A_45 = tpu.memref_slice %arg10[%dma_start3A_43, %dma_start3A_44] : memref<10000x128xf32, #tpu.memory_space<vmem_shared>> -> memref<16x128xf32, #tpu.memory_space<vmem_shared>>
        %dma_start3A_46 = arith.constant 0 : i32
        %dma_start3A_47 = arith.constant 0 : i32
        %dma_start3A_48 = tpu.memref_slice %arg9[%dma_start3A_46, %dma_start3A_47] : memref<104x128xf32, #tpu.memory_space<vmem>> -> memref<16x128xf32, #tpu.memory_space<vmem>>
        tpu.enqueue_dma source(%dma_start3A_48 : memref<16x128xf32, #tpu.memory_space<vmem>>) target(%dma_start3A_45 : memref<16x128xf32, #tpu.memory_space<vmem_shared>>) target_semaphore(%run_scoped3A : memref<!tpu.dma_semaphore, #tpu.memory_space<semaphore_mem>>)
        %dma_wait3A = arith.constant 0 : i32
        %dma_wait3A_49 = arith.constant 0 : i32
        %dma_wait3A_50 = tpu.memref_slice %arg9[%dma_wait3A, %dma_wait3A_49] : memref<104x128xf32, #tpu.memory_space<vmem>> -> memref<16x128xf32, #tpu.memory_space<vmem>>
        %dma_wait3A_51 = arith.constant 9984 : i32
        %dma_wait3A_52 = arith.constant 0 : i32
        %dma_wait3A_53 = tpu.memref_slice %arg10[%dma_wait3A_51, %dma_wait3A_52] : memref<10000x128xf32, #tpu.memory_space<vmem_shared>> -> memref<16x128xf32, #tpu.memory_space<vmem_shared>>
        %dma_wait3A_54 = arith.constant 9984 : i32
        %dma_wait3A_55 = arith.constant 0 : i32
        %dma_wait3A_56 = tpu.memref_slice %arg10[%dma_wait3A_54, %dma_wait3A_55] : memref<10000x128xf32, #tpu.memory_space<vmem_shared>> -> memref<16x128xf32, #tpu.memory_space<vmem_shared>>
        %dma_wait3A_57 = arith.constant 0 : i32
        %dma_wait3A_58 = arith.constant 0 : i32
        %dma_wait3A_59 = tpu.memref_slice %arg9[%dma_wait3A_57, %dma_wait3A_58] : memref<104x128xf32, #tpu.memory_space<vmem>> -> memref<16x128xf32, #tpu.memory_space<vmem>>
        tpu.wait_dma2 semaphore(%run_scoped3A : memref<!tpu.dma_semaphore, #tpu.memory_space<semaphore_mem>>) src(%dma_wait3A_59 : memref<16x128xf32, #tpu.memory_space<vmem>>) dst(%dma_wait3A_56 : memref<16x128xf32, #tpu.memory_space<vmem_shared>>)
        tpu.yield
      }) : () -> ()
    } else {
    }
    %barrier3A = arith.constant 0 : index
    tpu.barrier barrier_id(%barrier3A)
    %scan3A_17 = arith.constant 0 : i32
    %scan3A_18 = arith.constant 0 : i32
    %scan3A_19 = arith.constant 39 : i32
    %scan3A_20 = arith.addi %scan3A_18, %scan3A_19 : i32
    %scan3A_21 = arith.constant 1 : i32
    %scan3A_22 = scf.for %scan3A_38 = %scan3A_18 to %scan3A_20 step %scan3A_21 iter_args(%scan3A_39 = %scan3A_17) -> (i32)  : i32 {
      %mul3A_40 = arith.constant 4992 : i32
      %mul3A_41 = arith.muli %add3A, %mul3A_40 : i32
      %mul3A_42 = arith.constant 128 : i32
      %mul3A_43 = arith.muli %scan3A_38, %mul3A_42 : i32
      %add3A_44 = arith.addi %mul3A_41, %mul3A_43 : i32
      "tpu.region"() ({
        %run_scoped3A = tpu.sem_alloc : memref<!tpu.dma_semaphore, #tpu.memory_space<semaphore_mem>>
        %dma_start3A_50 = tpu.memref_slice %arg3[%add3A_44] : memref<160000xi32, #tpu.memory_space<hbm>> -> memref<128xi32, #tpu.memory_space<hbm>>
        %dma_start3A_51 = tpu.memref_slice %arg3[%add3A_44] : memref<160000xi32, #tpu.memory_space<hbm>> -> memref<128xi32, #tpu.memory_space<hbm>>
        tpu.enqueue_dma source(%dma_start3A_51 : memref<128xi32, #tpu.memory_space<hbm>>) target(%arg6 : memref<128xi32, #tpu.memory_space<vmem>>) target_semaphore(%run_scoped3A : memref<!tpu.dma_semaphore, #tpu.memory_space<semaphore_mem>>)
        %dma_wait3A_52 = tpu.memref_slice %arg3[%add3A_44] : memref<160000xi32, #tpu.memory_space<hbm>> -> memref<128xi32, #tpu.memory_space<hbm>>
        %dma_wait3A_53 = tpu.memref_slice %arg3[%add3A_44] : memref<160000xi32, #tpu.memory_space<hbm>> -> memref<128xi32, #tpu.memory_space<hbm>>
        tpu.wait_dma2 semaphore(%run_scoped3A : memref<!tpu.dma_semaphore, #tpu.memory_space<semaphore_mem>>) src(%dma_wait3A_53 : memref<128xi32, #tpu.memory_space<hbm>>) dst(%arg6 : memref<128xi32, #tpu.memory_space<vmem>>)
        tpu.yield
      }) : () -> ()
      "tpu.region"() ({
        %run_scoped3A = tpu.sem_alloc : memref<!tpu.dma_semaphore, #tpu.memory_space<semaphore_mem>>
        %dma_start3A_50 = tpu.memref_slice %arg4[%add3A_44] : memref<160000xi32, #tpu.memory_space<hbm>> -> memref<128xi32, #tpu.memory_space<hbm>>
        %dma_start3A_51 = tpu.memref_slice %arg4[%add3A_44] : memref<160000xi32, #tpu.memory_space<hbm>> -> memref<128xi32, #tpu.memory_space<hbm>>
        tpu.enqueue_dma source(%dma_start3A_51 : memref<128xi32, #tpu.memory_space<hbm>>) target(%arg7 : memref<128xi32, #tpu.memory_space<vmem>>) target_semaphore(%run_scoped3A : memref<!tpu.dma_semaphore, #tpu.memory_space<semaphore_mem>>)
        %dma_wait3A_52 = tpu.memref_slice %arg4[%add3A_44] : memref<160000xi32, #tpu.memory_space<hbm>> -> memref<128xi32, #tpu.memory_space<hbm>>
        %dma_wait3A_53 = tpu.memref_slice %arg4[%add3A_44] : memref<160000xi32, #tpu.memory_space<hbm>> -> memref<128xi32, #tpu.memory_space<hbm>>
        tpu.wait_dma2 semaphore(%run_scoped3A : memref<!tpu.dma_semaphore, #tpu.memory_space<semaphore_mem>>) src(%dma_wait3A_53 : memref<128xi32, #tpu.memory_space<hbm>>) dst(%arg7 : memref<128xi32, #tpu.memory_space<vmem>>)
        tpu.yield
      }) : () -> ()
      %dma_start3A = arith.constant 0 : i32
      %dma_start3A_45 = arith.constant 0 : i32
      %dma_start3A_46 = tpu.memref_slice %arg2[%dma_start3A, %dma_start3A_45] : memref<10000x128xf32, #tpu.memory_space<hbm>> -> memref<10000x128xf32, #tpu.memory_space<hbm>>
      tpu.enqueue_indirect_dma source(%dma_start3A_46 : memref<10000x128xf32, #tpu.memory_space<hbm>>) target(%arg8 : memref<128x128xf32, #tpu.memory_space<vmem>>) offsets(%arg6 : memref<128xi32, #tpu.memory_space<vmem>>) semaphore(%arg11 : memref<!tpu.dma_semaphore, #tpu.memory_space<semaphore_mem>>)
      %dma_wait3A = arith.constant 0 : i32
      %dma_wait3A_47 = arith.constant 0 : i32
      %dma_wait3A_48 = tpu.memref_slice %arg2[%dma_wait3A, %dma_wait3A_47] : memref<10000x128xf32, #tpu.memory_space<hbm>> -> memref<10000x128xf32, #tpu.memory_space<hbm>>
      tpu.wait_indirect_dma semaphore(%arg11 : memref<!tpu.dma_semaphore, #tpu.memory_space<semaphore_mem>>) src(%dma_wait3A_48 : memref<10000x128xf32, #tpu.memory_space<hbm>>) dst(%arg8 : memref<128x128xf32, #tpu.memory_space<vmem>>)
      "tpu.region"() ({
        %run_scoped3A = tpu.sem_alloc : memref<!tpu.dma_semaphore, #tpu.memory_space<semaphore_mem>>
        %dma_start3A_50 = arith.constant 0 : i32
        %dma_start3A_51 = arith.constant 0 : i32
        %dma_start3A_52 = tpu.memref_slice %arg10[%dma_start3A_50, %dma_start3A_51] : memref<10000x128xf32, #tpu.memory_space<vmem_shared>> -> memref<10000x128xf32, #tpu.memory_space<vmem_shared>>
        tpu.enqueue_indirect_dma source(%arg8 : memref<128x128xf32, #tpu.memory_space<vmem>>) target(%dma_start3A_52 : memref<10000x128xf32, #tpu.memory_space<vmem_shared>>) offsets(%arg7 : memref<128xi32, #tpu.memory_space<vmem>>) semaphore(%run_scoped3A : memref<!tpu.dma_semaphore, #tpu.memory_space<semaphore_mem>>) {add = true}
        %dma_wait3A_53 = arith.constant 0 : i32
        %dma_wait3A_54 = arith.constant 0 : i32
        %dma_wait3A_55 = tpu.memref_slice %arg10[%dma_wait3A_53, %dma_wait3A_54] : memref<10000x128xf32, #tpu.memory_space<vmem_shared>> -> memref<10000x128xf32, #tpu.memory_space<vmem_shared>>
        tpu.wait_indirect_dma semaphore(%run_scoped3A : memref<!tpu.dma_semaphore, #tpu.memory_space<semaphore_mem>>) src(%arg8 : memref<128x128xf32, #tpu.memory_space<vmem>>) dst(%dma_wait3A_55 : memref<10000x128xf32, #tpu.memory_space<vmem_shared>>)
        tpu.yield
      }) : () -> ()
      %scan3A_49 = arith.constant 0 : i32
      scf.yield %scan3A_49 : i32
    }
    %scan3A_23 = arith.constant 39 : i32
    %lt3A = arith.constant 2 : i32
    %lt3A_24 = arith.cmpi slt, %add3A, %lt3A : i32
    %convert_element_type3A_25 = arith.extui %lt3A_24 : i1 to i32
    %cond3A_26 = arith.constant 0 : i32
    %cond3A_27 = arith.cmpi ne, %convert_element_type3A_25, %cond3A_26 : i32
    scf.if %cond3A_27 {
      %mul3A_38 = arith.constant 128 : i32
      %mul3A_39 = arith.muli %add3A, %mul3A_38 : i32
      %add3A_40 = arith.constant 159744 : i32
      %add3A_41 = arith.addi %add3A_40, %mul3A_39 : i32
      "tpu.region"() ({
        %run_scoped3A = tpu.sem_alloc : memref<!tpu.dma_semaphore, #tpu.memory_space<semaphore_mem>>
        %dma_start3A_46 = tpu.memref_slice %arg3[%add3A_41] : memref<160000xi32, #tpu.memory_space<hbm>> -> memref<128xi32, #tpu.memory_space<hbm>>
        %dma_start3A_47 = tpu.memref_slice %arg3[%add3A_41] : memref<160000xi32, #tpu.memory_space<hbm>> -> memref<128xi32, #tpu.memory_space<hbm>>
        tpu.enqueue_dma source(%dma_start3A_47 : memref<128xi32, #tpu.memory_space<hbm>>) target(%arg6 : memref<128xi32, #tpu.memory_space<vmem>>) target_semaphore(%run_scoped3A : memref<!tpu.dma_semaphore, #tpu.memory_space<semaphore_mem>>)
        %dma_wait3A_48 = tpu.memref_slice %arg3[%add3A_41] : memref<160000xi32, #tpu.memory_space<hbm>> -> memref<128xi32, #tpu.memory_space<hbm>>
        %dma_wait3A_49 = tpu.memref_slice %arg3[%add3A_41] : memref<160000xi32, #tpu.memory_space<hbm>> -> memref<128xi32, #tpu.memory_space<hbm>>
        tpu.wait_dma2 semaphore(%run_scoped3A : memref<!tpu.dma_semaphore, #tpu.memory_space<semaphore_mem>>) src(%dma_wait3A_49 : memref<128xi32, #tpu.memory_space<hbm>>) dst(%arg6 : memref<128xi32, #tpu.memory_space<vmem>>)
        tpu.yield
      }) : () -> ()
      "tpu.region"() ({
        %run_scoped3A = tpu.sem_alloc : memref<!tpu.dma_semaphore, #tpu.memory_space<semaphore_mem>>
        %dma_start3A_46 = tpu.memref_slice %arg4[%add3A_41] : memref<160000xi32, #tpu.memory_space<hbm>> -> memref<128xi32, #tpu.memory_space<hbm>>
        %dma_start3A_47 = tpu.memref_slice %arg4[%add3A_41] : memref<160000xi32, #tpu.memory_space<hbm>> -> memref<128xi32, #tpu.memory_space<hbm>>
        tpu.enqueue_dma source(%dma_start3A_47 : memref<128xi32, #tpu.memory_space<hbm>>) target(%arg7 : memref<128xi32, #tpu.memory_space<vmem>>) target_semaphore(%run_scoped3A : memref<!tpu.dma_semaphore, #tpu.memory_space<semaphore_mem>>)
        %dma_wait3A_48 = tpu.memref_slice %arg4[%add3A_41] : memref<160000xi32, #tpu.memory_space<hbm>> -> memref<128xi32, #tpu.memory_space<hbm>>
        %dma_wait3A_49 = tpu.memref_slice %arg4[%add3A_41] : memref<160000xi32, #tpu.memory_space<hbm>> -> memref<128xi32, #tpu.memory_space<hbm>>
        tpu.wait_dma2 semaphore(%run_scoped3A : memref<!tpu.dma_semaphore, #tpu.memory_space<semaphore_mem>>) src(%dma_wait3A_49 : memref<128xi32, #tpu.memory_space<hbm>>) dst(%arg7 : memref<128xi32, #tpu.memory_space<vmem>>)
        tpu.yield
      }) : () -> ()
      %dma_start3A = arith.constant 0 : i32
      %dma_start3A_42 = arith.constant 0 : i32
      %dma_start3A_43 = tpu.memref_slice %arg2[%dma_start3A, %dma_start3A_42] : memref<10000x128xf32, #tpu.memory_space<hbm>> -> memref<10000x128xf32, #tpu.memory_space<hbm>>
      tpu.enqueue_indirect_dma source(%dma_start3A_43 : memref<10000x128xf32, #tpu.memory_space<hbm>>) target(%arg8 : memref<128x128xf32, #tpu.memory_space<vmem>>) offsets(%arg6 : memref<128xi32, #tpu.memory_space<vmem>>) semaphore(%arg11 : memref<!tpu.dma_semaphore, #tpu.memory_space<semaphore_mem>>)
      %dma_wait3A = arith.constant 0 : i32
      %dma_wait3A_44 = arith.constant 0 : i32
      %dma_wait3A_45 = tpu.memref_slice %arg2[%dma_wait3A, %dma_wait3A_44] : memref<10000x128xf32, #tpu.memory_space<hbm>> -> memref<10000x128xf32, #tpu.memory_space<hbm>>
      tpu.wait_indirect_dma semaphore(%arg11 : memref<!tpu.dma_semaphore, #tpu.memory_space<semaphore_mem>>) src(%dma_wait3A_45 : memref<10000x128xf32, #tpu.memory_space<hbm>>) dst(%arg8 : memref<128x128xf32, #tpu.memory_space<vmem>>)
      "tpu.region"() ({
        %run_scoped3A = tpu.sem_alloc : memref<!tpu.dma_semaphore, #tpu.memory_space<semaphore_mem>>
        %dma_start3A_46 = arith.constant 0 : i32
        %dma_start3A_47 = arith.constant 0 : i32
        %dma_start3A_48 = tpu.memref_slice %arg10[%dma_start3A_46, %dma_start3A_47] : memref<10000x128xf32, #tpu.memory_space<vmem_shared>> -> memref<10000x128xf32, #tpu.memory_space<vmem_shared>>
        tpu.enqueue_indirect_dma source(%arg8 : memref<128x128xf32, #tpu.memory_space<vmem>>) target(%dma_start3A_48 : memref<10000x128xf32, #tpu.memory_space<vmem_shared>>) offsets(%arg7 : memref<128xi32, #tpu.memory_space<vmem>>) semaphore(%run_scoped3A : memref<!tpu.dma_semaphore, #tpu.memory_space<semaphore_mem>>) {add = true}
        %dma_wait3A_49 = arith.constant 0 : i32
        %dma_wait3A_50 = arith.constant 0 : i32
        %dma_wait3A_51 = tpu.memref_slice %arg10[%dma_wait3A_49, %dma_wait3A_50] : memref<10000x128xf32, #tpu.memory_space<vmem_shared>> -> memref<10000x128xf32, #tpu.memory_space<vmem_shared>>
        tpu.wait_indirect_dma semaphore(%run_scoped3A : memref<!tpu.dma_semaphore, #tpu.memory_space<semaphore_mem>>) src(%arg8 : memref<128x128xf32, #tpu.memory_space<vmem>>) dst(%dma_wait3A_51 : memref<10000x128xf32, #tpu.memory_space<vmem_shared>>)
        tpu.yield
      }) : () -> ()
    } else {
    }
    %barrier3A_28 = arith.constant 0 : index
    tpu.barrier barrier_id(%barrier3A_28)
    %mul3A_29 = arith.constant 624 : i32
    %mul3A_30 = arith.muli %arg1, %mul3A_29 : i32
    %mul3A_31 = arith.constant 624 : i32
    %mul3A_32 = arith.muli %arg1, %mul3A_31 : i32
    "tpu.region"() ({
      %run_scoped3A = tpu.sem_alloc : memref<!tpu.dma_semaphore, #tpu.memory_space<semaphore_mem>>
      %dma_start3A = arith.constant 0 : i32
      %dma_start3A_38 = tpu.memref_slice %arg5[%arg0, %mul3A_32, %dma_start3A] : memref<2x10000x128xf32, #tpu.memory_space<hbm>> -> memref<1x624x128xf32, #tpu.memory_space<hbm>>
      %dma_start3A_39 = tpu.memref_squeeze %dma_start3A_38 : memref<1x624x128xf32, #tpu.memory_space<hbm>> -> memref<624x128xf32, #tpu.memory_space<hbm>>
      %dma_start3A_40 = arith.constant 0 : i32
      %dma_start3A_41 = tpu.memref_slice %arg10[%mul3A_30, %dma_start3A_40] : memref<10000x128xf32, #tpu.memory_space<vmem_shared>> -> memref<624x128xf32, #tpu.memory_space<vmem_shared>>
      tpu.enqueue_dma source(%dma_start3A_41 : memref<624x128xf32, #tpu.memory_space<vmem_shared>>) target(%dma_start3A_39 : memref<624x128xf32, #tpu.memory_space<hbm>>) target_semaphore(%run_scoped3A : memref<!tpu.dma_semaphore, #tpu.memory_space<semaphore_mem>>)
      %dma_wait3A = arith.constant 0 : i32
      %dma_wait3A_42 = tpu.memref_slice %arg5[%arg0, %mul3A_32, %dma_wait3A] : memref<2x10000x128xf32, #tpu.memory_space<hbm>> -> memref<1x624x128xf32, #tpu.memory_space<hbm>>
      %dma_wait3A_43 = tpu.memref_squeeze %dma_wait3A_42 : memref<1x624x128xf32, #tpu.memory_space<hbm>> -> memref<624x128xf32, #tpu.memory_space<hbm>>
      %dma_wait3A_44 = arith.constant 0 : i32
      %dma_wait3A_45 = tpu.memref_slice %arg10[%mul3A_30, %dma_wait3A_44] : memref<10000x128xf32, #tpu.memory_space<vmem_shared>> -> memref<624x128xf32, #tpu.memory_space<vmem_shared>>
      tpu.wait_dma2 semaphore(%run_scoped3A : memref<!tpu.dma_semaphore, #tpu.memory_space<semaphore_mem>>) src(%dma_wait3A_45 : memref<624x128xf32, #tpu.memory_space<vmem_shared>>) dst(%dma_wait3A_43 : memref<624x128xf32, #tpu.memory_space<hbm>>)
      tpu.yield
    }) : () -> ()
    %eq3A_33 = arith.constant 15 : i32
    %eq3A_34 = arith.cmpi eq, %arg1, %eq3A_33 : i32
    %convert_element_type3A_35 = arith.extui %eq3A_34 : i1 to i32
    %cond3A_36 = arith.constant 0 : i32
    %cond3A_37 = arith.cmpi ne, %convert_element_type3A_35, %cond3A_36 : i32
    scf.if %cond3A_37 {
      "tpu.region"() ({
        %run_scoped3A = tpu.sem_alloc : memref<!tpu.dma_semaphore, #tpu.memory_space<semaphore_mem>>
        %dma_start3A = arith.constant 9984 : i32
        %dma_start3A_38 = arith.constant 0 : i32
        %dma_start3A_39 = tpu.memref_slice %arg5[%arg0, %dma_start3A, %dma_start3A_38] : memref<2x10000x128xf32, #tpu.memory_space<hbm>> -> memref<1x16x128xf32, #tpu.memory_space<hbm>>
        %dma_start3A_40 = tpu.memref_squeeze %dma_start3A_39 : memref<1x16x128xf32, #tpu.memory_space<hbm>> -> memref<16x128xf32, #tpu.memory_space<hbm>>
        %dma_start3A_41 = arith.constant 9984 : i32
        %dma_start3A_42 = arith.constant 0 : i32
        %dma_start3A_43 = tpu.memref_slice %arg10[%dma_start3A_41, %dma_start3A_42] : memref<10000x128xf32, #tpu.memory_space<vmem_shared>> -> memref<16x128xf32, #tpu.memory_space<vmem_shared>>
        tpu.enqueue_dma source(%dma_start3A_43 : memref<16x128xf32, #tpu.memory_space<vmem_shared>>) target(%dma_start3A_40 : memref<16x128xf32, #tpu.memory_space<hbm>>) target_semaphore(%run_scoped3A : memref<!tpu.dma_semaphore, #tpu.memory_space<semaphore_mem>>)
        %dma_wait3A = arith.constant 9984 : i32
        %dma_wait3A_44 = arith.constant 0 : i32
        %dma_wait3A_45 = tpu.memref_slice %arg5[%arg0, %dma_wait3A, %dma_wait3A_44] : memref<2x10000x128xf32, #tpu.memory_space<hbm>> -> memref<1x16x128xf32, #tpu.memory_space<hbm>>
        %dma_wait3A_46 = tpu.memref_squeeze %dma_wait3A_45 : memref<1x16x128xf32, #tpu.memory_space<hbm>> -> memref<16x128xf32, #tpu.memory_space<hbm>>
        %dma_wait3A_47 = arith.constant 9984 : i32
        %dma_wait3A_48 = arith.constant 0 : i32
        %dma_wait3A_49 = tpu.memref_slice %arg10[%dma_wait3A_47, %dma_wait3A_48] : memref<10000x128xf32, #tpu.memory_space<vmem_shared>> -> memref<16x128xf32, #tpu.memory_space<vmem_shared>>
        tpu.wait_dma2 semaphore(%run_scoped3A : memref<!tpu.dma_semaphore, #tpu.memory_space<semaphore_mem>>) src(%dma_wait3A_49 : memref<16x128xf32, #tpu.memory_space<vmem_shared>>) dst(%dma_wait3A_46 : memref<16x128xf32, #tpu.memory_space<hbm>>)
        tpu.yield
      }) : () -> ()
    } else {
    }
    return
  }
}

#map = affine_map<(d0, d1) -> (0, 0)>
#map1 = affine_map<(d0, d1) -> (0)>
#map2 = affine_map<(d0, d1) -> (0, 0, 0)>
module attributes {stable_mosaic.version = 14 : i64} {
  func.func @prop_kernel(%arg0: i32, %arg1: i32, %arg2: memref<10000x128xf32, #tpu.memory_space<hbm>>, %arg3: memref<160000xi32, #tpu.memory_space<hbm>>, %arg4: memref<160000xi32, #tpu.memory_space<hbm>>, %arg5: memref<2x10000x128xf32, #tpu.memory_space<hbm>>, %arg6: memref<128xi32, #tpu.memory_space<vmem>>, %arg7: memref<128xi32, #tpu.memory_space<vmem>>, %arg8: memref<128x128xf32, #tpu.memory_space<vmem>>, %arg9: memref<104x128xf32, #tpu.memory_space<vmem>>, %arg10: memref<10000x128xf32, #tpu.memory_space<vmem_shared>>, %arg11: memref<!tpu.dma_semaphore, #tpu.memory_space<semaphore_mem>>) attributes {dimension_semantics = [#tpu.dimension_semantics<core_parallel>, #tpu.dimension_semantics<subcore_parallel>], iteration_bounds = array<i64: 2, 16>, scalar_prefetch = 0 : i64, scratch_operands = 6 : i64, tpu.core_type = #tpu.core_type<sc_vector_subcore>, window_params = [{transform_indices = #map}, {transform_indices = #map1}, {transform_indices = #map1}, {transform_indices = #map2}]} {
    %mul3A = arith.constant 16 : i32
    %mul3A_0 = arith.muli %arg0, %mul3A : i32
    %add3A = arith.addi %mul3A_0, %arg1 : i32
    %broadcast_in_dim3A = arith.constant 0.000000e+00 : f32
    %broadcast_in_dim3A_1 = vector.broadcast %broadcast_in_dim3A : f32 to vector<16xf32>
    %scan3A = arith.constant 0 : i32
    %scan3A_2 = arith.constant 0 : i32
    %scan3A_3 = arith.constant 104 : i32
    %scan3A_4 = arith.addi %scan3A_2, %scan3A_3 : i32
    %scan3A_5 = arith.constant 1 : i32
    %scan3A_6 = scf.for %scan3A_38 = %scan3A_2 to %scan3A_4 step %scan3A_5 iter_args(%scan3A_39 = %scan3A) -> (i32)  : i32 {
      %swap3A = arith.index_cast %scan3A_38 : i32 to index
      %swap3A_40 = arith.constant 0 : index
      %swap3A_41 = tpu.vector_load %arg9[%swap3A, %swap3A_40] {strides = array<i32>} : memref<104x128xf32, #tpu.memory_space<vmem>>, vector<1x16xf32>,
      %swap3A_42 = vector.shape_cast %swap3A_41 : vector<1x16xf32> to vector<16xf32>
      %swap3A_43 = vector.shape_cast %broadcast_in_dim3A_1 : vector<16xf32> to vector<1x16xf32>
      tpu.vector_store %arg9[%swap3A, %swap3A_40], %swap3A_43 {strides = array<i32>} : memref<104x128xf32, #tpu.memory_space<vmem>>, vector<1x16xf32>,
      %swap3A_44 = arith.index_cast %scan3A_38 : i32 to index
      %swap3A_45 = arith.constant 16 : index
      %swap3A_46 = tpu.vector_load %arg9[%swap3A_44, %swap3A_45] {strides = array<i32>} : memref<104x128xf32, #tpu.memory_space<vmem>>, vector<1x16xf32>,
      %swap3A_47 = vector.shape_cast %swap3A_46 : vector<1x16xf32> to vector<16xf32>
      %swap3A_48 = vector.shape_cast %broadcast_in_dim3A_1 : vector<16xf32> to vector<1x16xf32>
      tpu.vector_store %arg9[%swap3A_44, %swap3A_45], %swap3A_48 {strides = array<i32>} : memref<104x128xf32, #tpu.memory_space<vmem>>, vector<1x16xf32>,
      %swap3A_49 = arith.index_cast %scan3A_38 : i32 to index
      %swap3A_50 = arith.constant 32 : index
      %swap3A_51 = tpu.vector_load %arg9[%swap3A_49, %swap3A_50] {strides = array<i32>} : memref<104x128xf32, #tpu.memory_space<vmem>>, vector<1x16xf32>,
      %swap3A_52 = vector.shape_cast %swap3A_51 : vector<1x16xf32> to vector<16xf32>
      %swap3A_53 = vector.shape_cast %broadcast_in_dim3A_1 : vector<16xf32> to vector<1x16xf32>
      tpu.vector_store %arg9[%swap3A_49, %swap3A_50], %swap3A_53 {strides = array<i32>} : memref<104x128xf32, #tpu.memory_space<vmem>>, vector<1x16xf32>,
      %swap3A_54 = arith.index_cast %scan3A_38 : i32 to index
      %swap3A_55 = arith.constant 48 : index
      %swap3A_56 = tpu.vector_load %arg9[%swap3A_54, %swap3A_55] {strides = array<i32>} : memref<104x128xf32, #tpu.memory_space<vmem>>, vector<1x16xf32>,
      %swap3A_57 = vector.shape_cast %swap3A_56 : vector<1x16xf32> to vector<16xf32>
      %swap3A_58 = vector.shape_cast %broadcast_in_dim3A_1 : vector<16xf32> to vector<1x16xf32>
      tpu.vector_store %arg9[%swap3A_54, %swap3A_55], %swap3A_58 {strides = array<i32>} : memref<104x128xf32, #tpu.memory_space<vmem>>, vector<1x16xf32>,
      %swap3A_59 = arith.index_cast %scan3A_38 : i32 to index
      %swap3A_60 = arith.constant 64 : index
      %swap3A_61 = tpu.vector_load %arg9[%swap3A_59, %swap3A_60] {strides = array<i32>} : memref<104x128xf32, #tpu.memory_space<vmem>>, vector<1x16xf32>,
      %swap3A_62 = vector.shape_cast %swap3A_61 : vector<1x16xf32> to vector<16xf32>
      %swap3A_63 = vector.shape_cast %broadcast_in_dim3A_1 : vector<16xf32> to vector<1x16xf32>
      tpu.vector_store %arg9[%swap3A_59, %swap3A_60], %swap3A_63 {strides = array<i32>} : memref<104x128xf32, #tpu.memory_space<vmem>>, vector<1x16xf32>,
      %swap3A_64 = arith.index_cast %scan3A_38 : i32 to index
      %swap3A_65 = arith.constant 80 : index
      %swap3A_66 = tpu.vector_load %arg9[%swap3A_64, %swap3A_65] {strides = array<i32>} : memref<104x128xf32, #tpu.memory_space<vmem>>, vector<1x16xf32>,
      %swap3A_67 = vector.shape_cast %swap3A_66 : vector<1x16xf32> to vector<16xf32>
      %swap3A_68 = vector.shape_cast %broadcast_in_dim3A_1 : vector<16xf32> to vector<1x16xf32>
      tpu.vector_store %arg9[%swap3A_64, %swap3A_65], %swap3A_68 {strides = array<i32>} : memref<104x128xf32, #tpu.memory_space<vmem>>, vector<1x16xf32>,
      %swap3A_69 = arith.index_cast %scan3A_38 : i32 to index
      %swap3A_70 = arith.constant 96 : index
      %swap3A_71 = tpu.vector_load %arg9[%swap3A_69, %swap3A_70] {strides = array<i32>} : memref<104x128xf32, #tpu.memory_space<vmem>>, vector<1x16xf32>,
      %swap3A_72 = vector.shape_cast %swap3A_71 : vector<1x16xf32> to vector<16xf32>
      %swap3A_73 = vector.shape_cast %broadcast_in_dim3A_1 : vector<16xf32> to vector<1x16xf32>
      tpu.vector_store %arg9[%swap3A_69, %swap3A_70], %swap3A_73 {strides = array<i32>} : memref<104x128xf32, #tpu.memory_space<vmem>>, vector<1x16xf32>,
      %swap3A_74 = arith.index_cast %scan3A_38 : i32 to index
      %swap3A_75 = arith.constant 112 : index
      %swap3A_76 = tpu.vector_load %arg9[%swap3A_74, %swap3A_75] {strides = array<i32>} : memref<104x128xf32, #tpu.memory_space<vmem>>, vector<1x16xf32>,
      %swap3A_77 = vector.shape_cast %swap3A_76 : vector<1x16xf32> to vector<16xf32>
      %swap3A_78 = vector.shape_cast %broadcast_in_dim3A_1 : vector<16xf32> to vector<1x16xf32>
      tpu.vector_store %arg9[%swap3A_74, %swap3A_75], %swap3A_78 {strides = array<i32>} : memref<104x128xf32, #tpu.memory_space<vmem>>, vector<1x16xf32>,
      %scan3A_79 = arith.constant 0 : i32
      scf.yield %scan3A_79 : i32
    }
    %scan3A_7 = arith.constant 104 : i32
    %scan3A_8 = arith.constant 0 : i32
    %scan3A_9 = arith.constant 0 : i32
    %scan3A_10 = arith.constant 6 : i32
    %scan3A_11 = arith.addi %scan3A_9, %scan3A_10 : i32
    %scan3A_12 = arith.constant 1 : i32
    %scan3A_13 = scf.for %scan3A_38 = %scan3A_9 to %scan3A_11 step %scan3A_12 iter_args(%scan3A_39 = %scan3A_8) -> (i32)  : i32 {
      %mul3A_40 = arith.constant 624 : i32
      %mul3A_41 = arith.muli %arg1, %mul3A_40 : i32
      %mul3A_42 = arith.constant 104 : i32
      %mul3A_43 = arith.muli %scan3A_38, %mul3A_42 : i32
      %add3A_44 = arith.addi %mul3A_41, %mul3A_43 : i32
      "tpu.region"() ({
        %run_scoped3A = tpu.sem_alloc : memref<!tpu.dma_semaphore, #tpu.memory_space<semaphore_mem>>
        %dma_start3A = arith.constant 0 : i32
        %dma_start3A_46 = tpu.memref_slice %arg10[%add3A_44, %dma_start3A] : memref<10000x128xf32, #tpu.memory_space<vmem_shared>> -> memref<104x128xf32, #tpu.memory_space<vmem_shared>>
        %dma_start3A_47 = arith.constant 0 : i32
        %dma_start3A_48 = tpu.memref_slice %arg10[%add3A_44, %dma_start3A_47] : memref<10000x128xf32, #tpu.memory_space<vmem_shared>> -> memref<104x128xf32, #tpu.memory_space<vmem_shared>>
        tpu.enqueue_dma source(%arg9 : memref<104x128xf32, #tpu.memory_space<vmem>>) target(%dma_start3A_48 : memref<104x128xf32, #tpu.memory_space<vmem_shared>>) target_semaphore(%run_scoped3A : memref<!tpu.dma_semaphore, #tpu.memory_space<semaphore_mem>>)
        %dma_wait3A = arith.constant 0 : i32
        %dma_wait3A_49 = tpu.memref_slice %arg10[%add3A_44, %dma_wait3A] : memref<10000x128xf32, #tpu.memory_space<vmem_shared>> -> memref<104x128xf32, #tpu.memory_space<vmem_shared>>
        %dma_wait3A_50 = arith.constant 0 : i32
        %dma_wait3A_51 = tpu.memref_slice %arg10[%add3A_44, %dma_wait3A_50] : memref<10000x128xf32, #tpu.memory_space<vmem_shared>> -> memref<104x128xf32, #tpu.memory_space<vmem_shared>>
        tpu.wait_dma2 semaphore(%run_scoped3A : memref<!tpu.dma_semaphore, #tpu.memory_space<semaphore_mem>>) src(%arg9 : memref<104x128xf32, #tpu.memory_space<vmem>>) dst(%dma_wait3A_51 : memref<104x128xf32, #tpu.memory_space<vmem_shared>>)
        tpu.yield
      }) : () -> ()
      %scan3A_45 = arith.constant 0 : i32
      scf.yield %scan3A_45 : i32
    }
    %scan3A_14 = arith.constant 6 : i32
    %eq3A = arith.constant 15 : i32
    %eq3A_15 = arith.cmpi eq, %arg1, %eq3A : i32
    %convert_element_type3A = arith.extui %eq3A_15 : i1 to i32
    %cond3A = arith.constant 0 : i32
    %cond3A_16 = arith.cmpi ne, %convert_element_type3A, %cond3A : i32
    scf.if %cond3A_16 {
      "tpu.region"() ({
        %run_scoped3A = tpu.sem_alloc : memref<!tpu.dma_semaphore, #tpu.memory_space<semaphore_mem>>
        %dma_start3A = arith.constant 0 : i32
        %dma_start3A_38 = arith.constant 0 : i32
        %dma_start3A_39 = tpu.memref_slice %arg9[%dma_start3A, %dma_start3A_38] : memref<104x128xf32, #tpu.memory_space<vmem>> -> memref<16x128xf32, #tpu.memory_space<vmem>>
        %dma_start3A_40 = arith.constant 9984 : i32
        %dma_start3A_41 = arith.constant 0 : i32
        %dma_start3A_42 = tpu.memref_slice %arg10[%dma_start3A_40, %dma_start3A_41] : memref<10000x128xf32, #tpu.memory_space<vmem_shared>> -> memref<16x128xf32, #tpu.memory_space<vmem_shared>>
        %dma_start3A_43 = arith.constant 9984 : i32
        %dma_start3A_44 = arith.constant 0 : i32
        %dma_start3A_45 = tpu.memref_slice %arg10[%dma_start3A_43, %dma_start3A_44] : memref<10000x128xf32, #tpu.memory_space<vmem_shared>> -> memref<16x128xf32, #tpu.memory_space<vmem_shared>>
        %dma_start3A_46 = arith.constant 0 : i32
        %dma_start3A_47 = arith.constant 0 : i32
        %dma_start3A_48 = tpu.memref_slice %arg9[%dma_start3A_46, %dma_start3A_47] : memref<104x128xf32, #tpu.memory_space<vmem>> -> memref<16x128xf32, #tpu.memory_space<vmem>>
        tpu.enqueue_dma source(%dma_start3A_48 : memref<16x128xf32, #tpu.memory_space<vmem>>) target(%dma_start3A_45 : memref<16x128xf32, #tpu.memory_space<vmem_shared>>) target_semaphore(%run_scoped3A : memref<!tpu.dma_semaphore, #tpu.memory_space<semaphore_mem>>)
        %dma_wait3A = arith.constant 0 : i32
        %dma_wait3A_49 = arith.constant 0 : i32
        %dma_wait3A_50 = tpu.memref_slice %arg9[%dma_wait3A, %dma_wait3A_49] : memref<104x128xf32, #tpu.memory_space<vmem>> -> memref<16x128xf32, #tpu.memory_space<vmem>>
        %dma_wait3A_51 = arith.constant 9984 : i32
        %dma_wait3A_52 = arith.constant 0 : i32
        %dma_wait3A_53 = tpu.memref_slice %arg10[%dma_wait3A_51, %dma_wait3A_52] : memref<10000x128xf32, #tpu.memory_space<vmem_shared>> -> memref<16x128xf32, #tpu.memory_space<vmem_shared>>
        %dma_wait3A_54 = arith.constant 9984 : i32
        %dma_wait3A_55 = arith.constant 0 : i32
        %dma_wait3A_56 = tpu.memref_slice %arg10[%dma_wait3A_54, %dma_wait3A_55] : memref<10000x128xf32, #tpu.memory_space<vmem_shared>> -> memref<16x128xf32, #tpu.memory_space<vmem_shared>>
        %dma_wait3A_57 = arith.constant 0 : i32
        %dma_wait3A_58 = arith.constant 0 : i32
        %dma_wait3A_59 = tpu.memref_slice %arg9[%dma_wait3A_57, %dma_wait3A_58] : memref<104x128xf32, #tpu.memory_space<vmem>> -> memref<16x128xf32, #tpu.memory_space<vmem>>
        tpu.wait_dma2 semaphore(%run_scoped3A : memref<!tpu.dma_semaphore, #tpu.memory_space<semaphore_mem>>) src(%dma_wait3A_59 : memref<16x128xf32, #tpu.memory_space<vmem>>) dst(%dma_wait3A_56 : memref<16x128xf32, #tpu.memory_space<vmem_shared>>)
        tpu.yield
      }) : () -> ()
    } else {
    }
    %barrier3A = arith.constant 0 : index
    tpu.barrier barrier_id(%barrier3A)
    %scan3A_17 = arith.constant 0 : i32
    %scan3A_18 = arith.constant 0 : i32
    %scan3A_19 = arith.constant 39 : i32
    %scan3A_20 = arith.addi %scan3A_18, %scan3A_19 : i32
    %scan3A_21 = arith.constant 1 : i32
    %scan3A_22 = scf.for %scan3A_38 = %scan3A_18 to %scan3A_20 step %scan3A_21 iter_args(%scan3A_39 = %scan3A_17) -> (i32)  : i32 {
      %mul3A_40 = arith.constant 4992 : i32
      %mul3A_41 = arith.muli %add3A, %mul3A_40 : i32
      %mul3A_42 = arith.constant 128 : i32
      %mul3A_43 = arith.muli %scan3A_38, %mul3A_42 : i32
      %add3A_44 = arith.addi %mul3A_41, %mul3A_43 : i32
      "tpu.region"() ({
        %run_scoped3A = tpu.sem_alloc : memref<!tpu.dma_semaphore, #tpu.memory_space<semaphore_mem>>
        %dma_start3A_50 = tpu.memref_slice %arg3[%add3A_44] : memref<160000xi32, #tpu.memory_space<hbm>> -> memref<128xi32, #tpu.memory_space<hbm>>
        %dma_start3A_51 = tpu.memref_slice %arg3[%add3A_44] : memref<160000xi32, #tpu.memory_space<hbm>> -> memref<128xi32, #tpu.memory_space<hbm>>
        tpu.enqueue_dma source(%dma_start3A_51 : memref<128xi32, #tpu.memory_space<hbm>>) target(%arg6 : memref<128xi32, #tpu.memory_space<vmem>>) target_semaphore(%run_scoped3A : memref<!tpu.dma_semaphore, #tpu.memory_space<semaphore_mem>>)
        %dma_wait3A_52 = tpu.memref_slice %arg3[%add3A_44] : memref<160000xi32, #tpu.memory_space<hbm>> -> memref<128xi32, #tpu.memory_space<hbm>>
        %dma_wait3A_53 = tpu.memref_slice %arg3[%add3A_44] : memref<160000xi32, #tpu.memory_space<hbm>> -> memref<128xi32, #tpu.memory_space<hbm>>
        tpu.wait_dma2 semaphore(%run_scoped3A : memref<!tpu.dma_semaphore, #tpu.memory_space<semaphore_mem>>) src(%dma_wait3A_53 : memref<128xi32, #tpu.memory_space<hbm>>) dst(%arg6 : memref<128xi32, #tpu.memory_space<vmem>>)
        tpu.yield
      }) : () -> ()
      "tpu.region"() ({
        %run_scoped3A = tpu.sem_alloc : memref<!tpu.dma_semaphore, #tpu.memory_space<semaphore_mem>>
        %dma_start3A_50 = tpu.memref_slice %arg4[%add3A_44] : memref<160000xi32, #tpu.memory_space<hbm>> -> memref<128xi32, #tpu.memory_space<hbm>>
        %dma_start3A_51 = tpu.memref_slice %arg4[%add3A_44] : memref<160000xi32, #tpu.memory_space<hbm>> -> memref<128xi32, #tpu.memory_space<hbm>>
        tpu.enqueue_dma source(%dma_start3A_51 : memref<128xi32, #tpu.memory_space<hbm>>) target(%arg7 : memref<128xi32, #tpu.memory_space<vmem>>) target_semaphore(%run_scoped3A : memref<!tpu.dma_semaphore, #tpu.memory_space<semaphore_mem>>)
        %dma_wait3A_52 = tpu.memref_slice %arg4[%add3A_44] : memref<160000xi32, #tpu.memory_space<hbm>> -> memref<128xi32, #tpu.memory_space<hbm>>
        %dma_wait3A_53 = tpu.memref_slice %arg4[%add3A_44] : memref<160000xi32, #tpu.memory_space<hbm>> -> memref<128xi32, #tpu.memory_space<hbm>>
        tpu.wait_dma2 semaphore(%run_scoped3A : memref<!tpu.dma_semaphore, #tpu.memory_space<semaphore_mem>>) src(%dma_wait3A_53 : memref<128xi32, #tpu.memory_space<hbm>>) dst(%arg7 : memref<128xi32, #tpu.memory_space<vmem>>)
        tpu.yield
      }) : () -> ()
      %dma_start3A = arith.constant 0 : i32
      %dma_start3A_45 = arith.constant 0 : i32
      %dma_start3A_46 = tpu.memref_slice %arg2[%dma_start3A, %dma_start3A_45] : memref<10000x128xf32, #tpu.memory_space<hbm>> -> memref<10000x128xf32, #tpu.memory_space<hbm>>
      tpu.enqueue_indirect_dma source(%dma_start3A_46 : memref<10000x128xf32, #tpu.memory_space<hbm>>) target(%arg8 : memref<128x128xf32, #tpu.memory_space<vmem>>) offsets(%arg6 : memref<128xi32, #tpu.memory_space<vmem>>) semaphore(%arg11 : memref<!tpu.dma_semaphore, #tpu.memory_space<semaphore_mem>>)
      %dma_wait3A = arith.constant 0 : i32
      %dma_wait3A_47 = arith.constant 0 : i32
      %dma_wait3A_48 = tpu.memref_slice %arg2[%dma_wait3A, %dma_wait3A_47] : memref<10000x128xf32, #tpu.memory_space<hbm>> -> memref<10000x128xf32, #tpu.memory_space<hbm>>
      tpu.wait_indirect_dma semaphore(%arg11 : memref<!tpu.dma_semaphore, #tpu.memory_space<semaphore_mem>>) src(%dma_wait3A_48 : memref<10000x128xf32, #tpu.memory_space<hbm>>) dst(%arg8 : memref<128x128xf32, #tpu.memory_space<vmem>>)
      "tpu.region"() ({
        %run_scoped3A = tpu.sem_alloc : memref<!tpu.dma_semaphore, #tpu.memory_space<semaphore_mem>>
        %dma_start3A_50 = arith.constant 0 : i32
        %dma_start3A_51 = arith.constant 0 : i32
        %dma_start3A_52 = tpu.memref_slice %arg10[%dma_start3A_50, %dma_start3A_51] : memref<10000x128xf32, #tpu.memory_space<vmem_shared>> -> memref<10000x128xf32, #tpu.memory_space<vmem_shared>>
        tpu.enqueue_indirect_dma source(%arg8 : memref<128x128xf32, #tpu.memory_space<vmem>>) target(%dma_start3A_52 : memref<10000x128xf32, #tpu.memory_space<vmem_shared>>) offsets(%arg7 : memref<128xi32, #tpu.memory_space<vmem>>) semaphore(%run_scoped3A : memref<!tpu.dma_semaphore, #tpu.memory_space<semaphore_mem>>) {add = true}
        %dma_wait3A_53 = arith.constant 0 : i32
        %dma_wait3A_54 = arith.constant 0 : i32
        %dma_wait3A_55 = tpu.memref_slice %arg10[%dma_wait3A_53, %dma_wait3A_54] : memref<10000x128xf32, #tpu.memory_space<vmem_shared>> -> memref<10000x128xf32, #tpu.memory_space<vmem_shared>>
        tpu.wait_indirect_dma semaphore(%run_scoped3A : memref<!tpu.dma_semaphore, #tpu.memory_space<semaphore_mem>>) src(%arg8 : memref<128x128xf32, #tpu.memory_space<vmem>>) dst(%dma_wait3A_55 : memref<10000x128xf32, #tpu.memory_space<vmem_shared>>)
        tpu.yield
      }) : () -> ()
      %scan3A_49 = arith.constant 0 : i32
      scf.yield %scan3A_49 : i32
    }
    %scan3A_23 = arith.constant 39 : i32
    %lt3A = arith.constant 2 : i32
    %lt3A_24 = arith.cmpi slt, %add3A, %lt3A : i32
    %convert_element_type3A_25 = arith.extui %lt3A_24 : i1 to i32
    %cond3A_26 = arith.constant 0 : i32
    %cond3A_27 = arith.cmpi ne, %convert_element_type3A_25, %cond3A_26 : i32
    scf.if %cond3A_27 {
      %mul3A_38 = arith.constant 128 : i32
      %mul3A_39 = arith.muli %add3A, %mul3A_38 : i32
      %add3A_40 = arith.constant 159744 : i32
      %add3A_41 = arith.addi %add3A_40, %mul3A_39 : i32
      "tpu.region"() ({
        %run_scoped3A = tpu.sem_alloc : memref<!tpu.dma_semaphore, #tpu.memory_space<semaphore_mem>>
        %dma_start3A_46 = tpu.memref_slice %arg3[%add3A_41] : memref<160000xi32, #tpu.memory_space<hbm>> -> memref<128xi32, #tpu.memory_space<hbm>>
        %dma_start3A_47 = tpu.memref_slice %arg3[%add3A_41] : memref<160000xi32, #tpu.memory_space<hbm>> -> memref<128xi32, #tpu.memory_space<hbm>>
        tpu.enqueue_dma source(%dma_start3A_47 : memref<128xi32, #tpu.memory_space<hbm>>) target(%arg6 : memref<128xi32, #tpu.memory_space<vmem>>) target_semaphore(%run_scoped3A : memref<!tpu.dma_semaphore, #tpu.memory_space<semaphore_mem>>)
        %dma_wait3A_48 = tpu.memref_slice %arg3[%add3A_41] : memref<160000xi32, #tpu.memory_space<hbm>> -> memref<128xi32, #tpu.memory_space<hbm>>
        %dma_wait3A_49 = tpu.memref_slice %arg3[%add3A_41] : memref<160000xi32, #tpu.memory_space<hbm>> -> memref<128xi32, #tpu.memory_space<hbm>>
        tpu.wait_dma2 semaphore(%run_scoped3A : memref<!tpu.dma_semaphore, #tpu.memory_space<semaphore_mem>>) src(%dma_wait3A_49 : memref<128xi32, #tpu.memory_space<hbm>>) dst(%arg6 : memref<128xi32, #tpu.memory_space<vmem>>)
        tpu.yield
      }) : () -> ()
      "tpu.region"() ({
        %run_scoped3A = tpu.sem_alloc : memref<!tpu.dma_semaphore, #tpu.memory_space<semaphore_mem>>
        %dma_start3A_46 = tpu.memref_slice %arg4[%add3A_41] : memref<160000xi32, #tpu.memory_space<hbm>> -> memref<128xi32, #tpu.memory_space<hbm>>
        %dma_start3A_47 = tpu.memref_slice %arg4[%add3A_41] : memref<160000xi32, #tpu.memory_space<hbm>> -> memref<128xi32, #tpu.memory_space<hbm>>
        tpu.enqueue_dma source(%dma_start3A_47 : memref<128xi32, #tpu.memory_space<hbm>>) target(%arg7 : memref<128xi32, #tpu.memory_space<vmem>>) target_semaphore(%run_scoped3A : memref<!tpu.dma_semaphore, #tpu.memory_space<semaphore_mem>>)
        %dma_wait3A_48 = tpu.memref_slice %arg4[%add3A_41] : memref<160000xi32, #tpu.memory_space<hbm>> -> memref<128xi32, #tpu.memory_space<hbm>>
        %dma_wait3A_49 = tpu.memref_slice %arg4[%add3A_41] : memref<160000xi32, #tpu.memory_space<hbm>> -> memref<128xi32, #tpu.memory_space<hbm>>
        tpu.wait_dma2 semaphore(%run_scoped3A : memref<!tpu.dma_semaphore, #tpu.memory_space<semaphore_mem>>) src(%dma_wait3A_49 : memref<128xi32, #tpu.memory_space<hbm>>) dst(%arg7 : memref<128xi32, #tpu.memory_space<vmem>>)
        tpu.yield
      }) : () -> ()
      %dma_start3A = arith.constant 0 : i32
      %dma_start3A_42 = arith.constant 0 : i32
      %dma_start3A_43 = tpu.memref_slice %arg2[%dma_start3A, %dma_start3A_42] : memref<10000x128xf32, #tpu.memory_space<hbm>> -> memref<10000x128xf32, #tpu.memory_space<hbm>>
      tpu.enqueue_indirect_dma source(%dma_start3A_43 : memref<10000x128xf32, #tpu.memory_space<hbm>>) target(%arg8 : memref<128x128xf32, #tpu.memory_space<vmem>>) offsets(%arg6 : memref<128xi32, #tpu.memory_space<vmem>>) semaphore(%arg11 : memref<!tpu.dma_semaphore, #tpu.memory_space<semaphore_mem>>)
      %dma_wait3A = arith.constant 0 : i32
      %dma_wait3A_44 = arith.constant 0 : i32
      %dma_wait3A_45 = tpu.memref_slice %arg2[%dma_wait3A, %dma_wait3A_44] : memref<10000x128xf32, #tpu.memory_space<hbm>> -> memref<10000x128xf32, #tpu.memory_space<hbm>>
      tpu.wait_indirect_dma semaphore(%arg11 : memref<!tpu.dma_semaphore, #tpu.memory_space<semaphore_mem>>) src(%dma_wait3A_45 : memref<10000x128xf32, #tpu.memory_space<hbm>>) dst(%arg8 : memref<128x128xf32, #tpu.memory_space<vmem>>)
      "tpu.region"() ({
        %run_scoped3A = tpu.sem_alloc : memref<!tpu.dma_semaphore, #tpu.memory_space<semaphore_mem>>
        %dma_start3A_46 = arith.constant 0 : i32
        %dma_start3A_47 = arith.constant 0 : i32
        %dma_start3A_48 = tpu.memref_slice %arg10[%dma_start3A_46, %dma_start3A_47] : memref<10000x128xf32, #tpu.memory_space<vmem_shared>> -> memref<10000x128xf32, #tpu.memory_space<vmem_shared>>
        tpu.enqueue_indirect_dma source(%arg8 : memref<128x128xf32, #tpu.memory_space<vmem>>) target(%dma_start3A_48 : memref<10000x128xf32, #tpu.memory_space<vmem_shared>>) offsets(%arg7 : memref<128xi32, #tpu.memory_space<vmem>>) semaphore(%run_scoped3A : memref<!tpu.dma_semaphore, #tpu.memory_space<semaphore_mem>>) {add = true}
        %dma_wait3A_49 = arith.constant 0 : i32
        %dma_wait3A_50 = arith.constant 0 : i32
        %dma_wait3A_51 = tpu.memref_slice %arg10[%dma_wait3A_49, %dma_wait3A_50] : memref<10000x128xf32, #tpu.memory_space<vmem_shared>> -> memref<10000x128xf32, #tpu.memory_space<vmem_shared>>
        tpu.wait_indirect_dma semaphore(%run_scoped3A : memref<!tpu.dma_semaphore, #tpu.memory_space<semaphore_mem>>) src(%arg8 : memref<128x128xf32, #tpu.memory_space<vmem>>) dst(%dma_wait3A_51 : memref<10000x128xf32, #tpu.memory_space<vmem_shared>>)
        tpu.yield
      }) : () -> ()
    } else {
    }
    %barrier3A_28 = arith.constant 0 : index
    tpu.barrier barrier_id(%barrier3A_28)
    %mul3A_29 = arith.constant 624 : i32
    %mul3A_30 = arith.muli %arg1, %mul3A_29 : i32
    %mul3A_31 = arith.constant 624 : i32
    %mul3A_32 = arith.muli %arg1, %mul3A_31 : i32
    "tpu.region"() ({
      %run_scoped3A = tpu.sem_alloc : memref<!tpu.dma_semaphore, #tpu.memory_space<semaphore_mem>>
      %dma_start3A = arith.constant 0 : i32
      %dma_start3A_38 = tpu.memref_slice %arg5[%arg0, %mul3A_32, %dma_start3A] : memref<2x10000x128xf32, #tpu.memory_space<hbm>> -> memref<1x624x128xf32, #tpu.memory_space<hbm>>
      %dma_start3A_39 = tpu.memref_squeeze %dma_start3A_38 : memref<1x624x128xf32, #tpu.memory_space<hbm>> -> memref<624x128xf32, #tpu.memory_space<hbm>>
      %dma_start3A_40 = arith.constant 0 : i32
      %dma_start3A_41 = tpu.memref_slice %arg10[%mul3A_30, %dma_start3A_40] : memref<10000x128xf32, #tpu.memory_space<vmem_shared>> -> memref<624x128xf32, #tpu.memory_space<vmem_shared>>
      tpu.enqueue_dma source(%dma_start3A_41 : memref<624x128xf32, #tpu.memory_space<vmem_shared>>) target(%dma_start3A_39 : memref<624x128xf32, #tpu.memory_space<hbm>>) target_semaphore(%run_scoped3A : memref<!tpu.dma_semaphore, #tpu.memory_space<semaphore_mem>>)
      %dma_wait3A = arith.constant 0 : i32
      %dma_wait3A_42 = tpu.memref_slice %arg5[%arg0, %mul3A_32, %dma_wait3A] : memref<2x10000x128xf32, #tpu.memory_space<hbm>> -> memref<1x624x128xf32, #tpu.memory_space<hbm>>
      %dma_wait3A_43 = tpu.memref_squeeze %dma_wait3A_42 : memref<1x624x128xf32, #tpu.memory_space<hbm>> -> memref<624x128xf32, #tpu.memory_space<hbm>>
      %dma_wait3A_44 = arith.constant 0 : i32
      %dma_wait3A_45 = tpu.memref_slice %arg10[%mul3A_30, %dma_wait3A_44] : memref<10000x128xf32, #tpu.memory_space<vmem_shared>> -> memref<624x128xf32, #tpu.memory_space<vmem_shared>>
      tpu.wait_dma2 semaphore(%run_scoped3A : memref<!tpu.dma_semaphore, #tpu.memory_space<semaphore_mem>>) src(%dma_wait3A_45 : memref<624x128xf32, #tpu.memory_space<vmem_shared>>) dst(%dma_wait3A_43 : memref<624x128xf32, #tpu.memory_space<hbm>>)
      tpu.yield
    }) : () -> ()
    %eq3A_33 = arith.constant 15 : i32
    %eq3A_34 = arith.cmpi eq, %arg1, %eq3A_33 : i32
    %convert_element_type3A_35 = arith.extui %eq3A_34 : i1 to i32
    %cond3A_36 = arith.constant 0 : i32
    %cond3A_37 = arith.cmpi ne, %convert_element_type3A_35, %cond3A_36 : i32
    scf.if %cond3A_37 {
      "tpu.region"() ({
        %run_scoped3A = tpu.sem_alloc : memref<!tpu.dma_semaphore, #tpu.memory_space<semaphore_mem>>
        %dma_start3A = arith.constant 9984 : i32
        %dma_start3A_38 = arith.constant 0 : i32
        %dma_start3A_39 = tpu.memref_slice %arg5[%arg0, %dma_start3A, %dma_start3A_38] : memref<2x10000x128xf32, #tpu.memory_space<hbm>> -> memref<1x16x128xf32, #tpu.memory_space<hbm>>
        %dma_start3A_40 = tpu.memref_squeeze %dma_start3A_39 : memref<1x16x128xf32, #tpu.memory_space<hbm>> -> memref<16x128xf32, #tpu.memory_space<hbm>>
        %dma_start3A_41 = arith.constant 9984 : i32
        %dma_start3A_42 = arith.constant 0 : i32
        %dma_start3A_43 = tpu.memref_slice %arg10[%dma_start3A_41, %dma_start3A_42] : memref<10000x128xf32, #tpu.memory_space<vmem_shared>> -> memref<16x128xf32, #tpu.memory_space<vmem_shared>>
        tpu.enqueue_dma source(%dma_start3A_43 : memref<16x128xf32, #tpu.memory_space<vmem_shared>>) target(%dma_start3A_40 : memref<16x128xf32, #tpu.memory_space<hbm>>) target_semaphore(%run_scoped3A : memref<!tpu.dma_semaphore, #tpu.memory_space<semaphore_mem>>)
        %dma_wait3A = arith.constant 9984 : i32
        %dma_wait3A_44 = arith.constant 0 : i32
        %dma_wait3A_45 = tpu.memref_slice %arg5[%arg0, %dma_wait3A, %dma_wait3A_44] : memref<2x10000x128xf32, #tpu.memory_space<hbm>> -> memref<1x16x128xf32, #tpu.memory_space<hbm>>
        %dma_wait3A_46 = tpu.memref_squeeze %dma_wait3A_45 : memref<1x16x128xf32, #tpu.memory_space<hbm>> -> memref<16x128xf32, #tpu.memory_space<hbm>>
        %dma_wait3A_47 = arith.constant 9984 : i32
        %dma_wait3A_48 = arith.constant 0 : i32
        %dma_wait3A_49 = tpu.memref_slice %arg10[%dma_wait3A_47, %dma_wait3A_48] : memref<10000x128xf32, #tpu.memory_space<vmem_shared>> -> memref<16x128xf32, #tpu.memory_space<vmem_shared>>
        tpu.wait_dma2 semaphore(%run_scoped3A : memref<!tpu.dma_semaphore, #tpu.memory_space<semaphore_mem>>) src(%dma_wait3A_49 : memref<16x128xf32, #tpu.memory_space<vmem_shared>>) dst(%dma_wait3A_46 : memref<16x128xf32, #tpu.memory_space<hbm>>)
        tpu.yield
      }) : () -> ()
    } else {
    }
    return
  }
}

module attributes {stable_mosaic.version = 14 : i64} {
  func.func @_matmul_body(%arg0: memref<10000x256xf32, #tpu.memory_space<vmem>>, %arg1: memref<256x256xf32, #tpu.memory_space<vmem>>, %arg2: memref<256x256xf32, #tpu.memory_space<vmem>>, %arg3: memref<256x256xf32, #tpu.memory_space<vmem>>, %arg4: memref<3x256xf32, #tpu.memory_space<vmem>>, %arg5: memref<768x256xf32, #tpu.memory_space<vmem>>, %arg6: memref<256x64xf32, #tpu.memory_space<vmem>>, %arg7: memref<2x10000x128xf32, #tpu.memory_space<vmem>>, %arg8: memref<10000x64xf32, #tpu.memory_space<vmem>>, %arg9: memref<10000x128xf32, #tpu.memory_space<vmem>>, %arg10: memref<10000x128xf32, #tpu.memory_space<vmem>>, %arg11: memref<10000x1xf32, #tpu.memory_space<vmem>>, %arg12: memref<1x64xf32, #tpu.memory_space<vmem>>) attributes {dimension_semantics = [], scalar_prefetch = 0 : i64, scratch_operands = 0 : i64, tpu.core_type = #tpu.core_type<tc>} {
    %get3A = arith.constant 0 : index
    %get3A_0 = arith.constant 0 : index
    %get3A_1 = vector.load %arg6[%get3A, %get3A_0] : memref<256x64xf32, #tpu.memory_space<vmem>>, vector<256x64xf32>
    %get3A_2 = arith.constant 0 : index
    %get3A_3 = arith.constant 0 : index
    %get3A_4 = vector.load %arg5[%get3A_2, %get3A_3] : memref<768x256xf32, #tpu.memory_space<vmem>>, vector<256x256xf32>
    %get3A_5 = arith.constant 0 : index
    %get3A_6 = arith.constant 0 : index
    %get3A_7 = vector.load %arg1[%get3A_5, %get3A_6] : memref<256x256xf32, #tpu.memory_space<vmem>>, vector<256x256xf32>
    %dot_general3A = arith.constant dense<0.000000e+00> : vector<256x256xf32>
    %dot_general3A_8 = tpu.matmul %get3A_7, %get3A_4, %dot_general3A {dimension_numbers = #tpu.dot_dimension_numbers<[1], [0], [0], [1], [0, 0, 1, 1], [], []>, transpose_lhs_hint = false} : vector<256x256xf32>, vector<256x256xf32>, vector<256x256xf32> -> vector<256x256xf32>
    %dot_general3A_9 = arith.constant dense<0.000000e+00> : vector<256x64xf32>
    %dot_general3A_10 = tpu.matmul %dot_general3A_8, %get3A_1, %dot_general3A_9 {dimension_numbers = #tpu.dot_dimension_numbers<[1], [0], [0], [1], [0, 0, 1, 1], [], []>, transpose_lhs_hint = false} : vector<256x256xf32>, vector<256x64xf32>, vector<256x64xf32> -> vector<256x64xf32>
    %get3A_11 = arith.constant 256 : index
    %get3A_12 = arith.constant 0 : index
    %get3A_13 = vector.load %arg5[%get3A_11, %get3A_12] : memref<768x256xf32, #tpu.memory_space<vmem>>, vector<256x256xf32>
    %get3A_14 = arith.constant 0 : index
    %get3A_15 = arith.constant 0 : index
    %get3A_16 = vector.load %arg2[%get3A_14, %get3A_15] : memref<256x256xf32, #tpu.memory_space<vmem>>, vector<256x256xf32>
    %dot_general3A_17 = arith.constant dense<0.000000e+00> : vector<256x256xf32>
    %dot_general3A_18 = tpu.matmul %get3A_16, %get3A_13, %dot_general3A_17 {dimension_numbers = #tpu.dot_dimension_numbers<[1], [0], [0], [1], [0, 0, 1, 1], [], []>, transpose_lhs_hint = false} : vector<256x256xf32>, vector<256x256xf32>, vector<256x256xf32> -> vector<256x256xf32>
    %dot_general3A_19 = arith.constant dense<0.000000e+00> : vector<256x64xf32>
    %dot_general3A_20 = tpu.matmul %dot_general3A_18, %get3A_1, %dot_general3A_19 {dimension_numbers = #tpu.dot_dimension_numbers<[1], [0], [0], [1], [0, 0, 1, 1], [], []>, transpose_lhs_hint = false} : vector<256x256xf32>, vector<256x64xf32>, vector<256x64xf32> -> vector<256x64xf32>
    %get3A_21 = arith.constant 512 : index
    %get3A_22 = arith.constant 0 : index
    %get3A_23 = vector.load %arg5[%get3A_21, %get3A_22] : memref<768x256xf32, #tpu.memory_space<vmem>>, vector<256x256xf32>
    %get3A_24 = arith.constant 0 : index
    %get3A_25 = arith.constant 0 : index
    %get3A_26 = vector.load %arg3[%get3A_24, %get3A_25] : memref<256x256xf32, #tpu.memory_space<vmem>>, vector<256x256xf32>
    %dot_general3A_27 = arith.constant dense<0.000000e+00> : vector<256x256xf32>
    %dot_general3A_28 = tpu.matmul %get3A_26, %get3A_23, %dot_general3A_27 {dimension_numbers = #tpu.dot_dimension_numbers<[1], [0], [0], [1], [0, 0, 1, 1], [], []>, transpose_lhs_hint = false} : vector<256x256xf32>, vector<256x256xf32>, vector<256x256xf32> -> vector<256x256xf32>
    %dot_general3A_29 = arith.constant dense<0.000000e+00> : vector<256x64xf32>
    %dot_general3A_30 = tpu.matmul %dot_general3A_28, %get3A_1, %dot_general3A_29 {dimension_numbers = #tpu.dot_dimension_numbers<[1], [0], [0], [1], [0, 0, 1, 1], [], []>, transpose_lhs_hint = false} : vector<256x256xf32>, vector<256x64xf32>, vector<256x64xf32> -> vector<256x64xf32>
    %get3A_31 = arith.constant 0 : index
    %get3A_32 = arith.constant 0 : index
    %get3A_33 = vector.load %arg4[%get3A_31, %get3A_32] : memref<3x256xf32, #tpu.memory_space<vmem>>, vector<3x256xf32>
    %slice3A = vector.extract_strided_slice %get3A_33 {offsets = [0, 0], sizes = [1, 256], strides = [1, 1]} : vector<3x256xf32> to vector<1x256xf32>
    %get3A_34 = arith.constant 0 : index
    %get3A_35 = arith.constant 0 : index
    %get3A_36 = vector.load %arg5[%get3A_34, %get3A_35] : memref<768x256xf32, #tpu.memory_space<vmem>>, vector<256x256xf32>
    %dot_general3A_37 = arith.constant dense<0.000000e+00> : vector<1x256xf32>
    %dot_general3A_38 = tpu.matmul %slice3A, %get3A_36, %dot_general3A_37 {dimension_numbers = #tpu.dot_dimension_numbers<[1], [0], [0], [1], [0, 0, 1, 1], [], []>, transpose_lhs_hint = false} : vector<1x256xf32>, vector<256x256xf32>, vector<1x256xf32> -> vector<1x256xf32>
    %slice3A_39 = vector.extract_strided_slice %get3A_33 {offsets = [1, 0], sizes = [1, 256], strides = [1, 1]} : vector<3x256xf32> to vector<1x256xf32>
    %get3A_40 = arith.constant 256 : index
    %get3A_41 = arith.constant 0 : index
    %get3A_42 = vector.load %arg5[%get3A_40, %get3A_41] : memref<768x256xf32, #tpu.memory_space<vmem>>, vector<256x256xf32>
    %dot_general3A_43 = arith.constant dense<0.000000e+00> : vector<1x256xf32>
    %dot_general3A_44 = tpu.matmul %slice3A_39, %get3A_42, %dot_general3A_43 {dimension_numbers = #tpu.dot_dimension_numbers<[1], [0], [0], [1], [0, 0, 1, 1], [], []>, transpose_lhs_hint = false} : vector<1x256xf32>, vector<256x256xf32>, vector<1x256xf32> -> vector<1x256xf32>
    %add3A = arith.addf %dot_general3A_38, %dot_general3A_44 : vector<1x256xf32>
    %slice3A_45 = vector.extract_strided_slice %get3A_33 {offsets = [2, 0], sizes = [1, 256], strides = [1, 1]} : vector<3x256xf32> to vector<1x256xf32>
    %get3A_46 = arith.constant 512 : index
    %get3A_47 = arith.constant 0 : index
    %get3A_48 = vector.load %arg5[%get3A_46, %get3A_47] : memref<768x256xf32, #tpu.memory_space<vmem>>, vector<256x256xf32>
    %dot_general3A_49 = arith.constant dense<0.000000e+00> : vector<1x256xf32>
    %dot_general3A_50 = tpu.matmul %slice3A_45, %get3A_48, %dot_general3A_49 {dimension_numbers = #tpu.dot_dimension_numbers<[1], [0], [0], [1], [0, 0, 1, 1], [], []>, transpose_lhs_hint = false} : vector<1x256xf32>, vector<256x256xf32>, vector<1x256xf32> -> vector<1x256xf32>
    %add3A_51 = arith.addf %add3A, %dot_general3A_50 : vector<1x256xf32>
    %dot_general3A_52 = arith.constant dense<0.000000e+00> : vector<1x64xf32>
    %dot_general3A_53 = tpu.matmul %add3A_51, %get3A_1, %dot_general3A_52 {dimension_numbers = #tpu.dot_dimension_numbers<[1], [0], [0], [1], [0, 0, 1, 1], [], []>, transpose_lhs_hint = false} : vector<1x256xf32>, vector<256x64xf32>, vector<1x64xf32> -> vector<1x64xf32>
    %swap3A = arith.constant 0 : index
    %swap3A_54 = arith.constant 0 : index
    %swap3A_55 = vector.load %arg12[%swap3A, %swap3A_54] : memref<1x64xf32, #tpu.memory_space<vmem>>, vector<1x64xf32>
    tpu.vector_store %arg12[%swap3A, %swap3A_54], %dot_general3A_53 {strides = array<i32>} : memref<1x64xf32, #tpu.memory_space<vmem>>, vector<1x64xf32>,
    %get3A_56 = arith.constant 0 : index
    %get3A_57 = arith.constant 0 : index
    %get3A_58 = arith.constant 0 : index
    %get3A_59 = vector.load %arg7[%get3A_56, %get3A_57, %get3A_58] : memref<2x10000x128xf32, #tpu.memory_space<vmem>>, vector<2x10000x128xf32>
    %slice3A_60 = vector.extract_strided_slice %get3A_59 {offsets = [0, 0, 0], sizes = [1, 10000, 1], strides = [1, 1, 1]} : vector<2x10000x128xf32> to vector<1x10000x1xf32>
    %squeeze3A = vector.shape_cast %slice3A_60 : vector<1x10000x1xf32> to vector<10000x1xf32>
    %slice3A_61 = vector.extract_strided_slice %get3A_59 {offsets = [1, 0, 0], sizes = [1, 10000, 1], strides = [1, 1, 1]} : vector<2x10000x128xf32> to vector<1x10000x1xf32>
    %squeeze3A_62 = vector.shape_cast %slice3A_61 : vector<1x10000x1xf32> to vector<10000x1xf32>
    %add3A_63 = arith.addf %squeeze3A, %squeeze3A_62 : vector<10000x1xf32>
    %max3A = arith.constant 1.000000e+00 : f32
    %max3A_64 = vector.broadcast %max3A : f32 to vector<10000x1xf32>
    %max3A_65 = arith.maximumf %add3A_63, %max3A_64 : vector<10000x1xf32>
    %rsqrt3A = math.rsqrt %max3A_65 : vector<10000x1xf32>
    %swap3A_66 = arith.constant 0 : index
    %swap3A_67 = arith.constant 0 : index
    %swap3A_68 = vector.load %arg11[%swap3A_66, %swap3A_67] : memref<10000x1xf32, #tpu.memory_space<vmem>>, vector<10000x1xf32>
    tpu.vector_store %arg11[%swap3A_66, %swap3A_67], %rsqrt3A {strides = array<i32>} : memref<10000x1xf32, #tpu.memory_space<vmem>>, vector<10000x1xf32>,
    %get3A_69 = arith.constant 0 : index
    %get3A_70 = arith.constant 0 : index
    %get3A_71 = vector.load %arg0[%get3A_69, %get3A_70] : memref<10000x256xf32, #tpu.memory_space<vmem>>, vector<10000x256xf32>
    %broadcast_in_dim3A = arith.constant 0.000000e+00 : f32
    %broadcast_in_dim3A_72 = vector.broadcast %broadcast_in_dim3A : f32 to vector<256x64xf32>
    %concatenate3A = tpu.concatenate %dot_general3A_20, %broadcast_in_dim3A_72 in 1 : vector<256x64xf32>, vector<256x64xf32> -> vector<256x128xf32>
    %concatenate3A_73 = tpu.concatenate %dot_general3A_30, %broadcast_in_dim3A_72 in 1 : vector<256x64xf32>, vector<256x64xf32> -> vector<256x128xf32>
    %dot_general3A_74 = arith.constant dense<0.000000e+00> : vector<10000x64xf32>
    %dot_general3A_75 = tpu.matmul %get3A_71, %dot_general3A_10, %dot_general3A_74 {dimension_numbers = #tpu.dot_dimension_numbers<[1], [0], [0], [1], [0, 0, 1, 1], [], []>, transpose_lhs_hint = false} : vector<10000x256xf32>, vector<256x64xf32>, vector<10000x64xf32> -> vector<10000x64xf32>
    %swap3A_76 = arith.constant 0 : index
    %swap3A_77 = arith.constant 0 : index
    %swap3A_78 = vector.load %arg8[%swap3A_76, %swap3A_77] : memref<10000x64xf32, #tpu.memory_space<vmem>>, vector<10000x64xf32>
    tpu.vector_store %arg8[%swap3A_76, %swap3A_77], %dot_general3A_75 {strides = array<i32>} : memref<10000x64xf32, #tpu.memory_space<vmem>>, vector<10000x64xf32>,
    %dot_general3A_79 = arith.constant dense<0.000000e+00> : vector<10000x128xf32>
    %dot_general3A_80 = tpu.matmul %get3A_71, %concatenate3A, %dot_general3A_79 {dimension_numbers = #tpu.dot_dimension_numbers<[1], [0], [0], [1], [0, 0, 1, 1], [], []>, transpose_lhs_hint = false} : vector<10000x256xf32>, vector<256x128xf32>, vector<10000x128xf32> -> vector<10000x128xf32>
    %mul3A = vector.broadcast %rsqrt3A : vector<10000x1xf32> to vector<10000x128xf32>
    %mul3A_81 = arith.mulf %mul3A, %dot_general3A_80 : vector<10000x128xf32>
    %swap3A_82 = arith.constant 0 : index
    %swap3A_83 = arith.constant 0 : index
    %swap3A_84 = vector.load %arg9[%swap3A_82, %swap3A_83] : memref<10000x128xf32, #tpu.memory_space<vmem>>, vector<10000x128xf32>
    tpu.vector_store %arg9[%swap3A_82, %swap3A_83], %mul3A_81 {strides = array<i32>} : memref<10000x128xf32, #tpu.memory_space<vmem>>, vector<10000x128xf32>,
    %dot_general3A_85 = arith.constant dense<0.000000e+00> : vector<10000x128xf32>
    %dot_general3A_86 = tpu.matmul %get3A_71, %concatenate3A_73, %dot_general3A_85 {dimension_numbers = #tpu.dot_dimension_numbers<[1], [0], [0], [1], [0, 0, 1, 1], [], []>, transpose_lhs_hint = false} : vector<10000x256xf32>, vector<256x128xf32>, vector<10000x128xf32> -> vector<10000x128xf32>
    %mul3A_87 = vector.broadcast %rsqrt3A : vector<10000x1xf32> to vector<10000x128xf32>
    %mul3A_88 = arith.mulf %mul3A_87, %dot_general3A_86 : vector<10000x128xf32>
    %swap3A_89 = arith.constant 0 : index
    %swap3A_90 = arith.constant 0 : index
    %swap3A_91 = vector.load %arg10[%swap3A_89, %swap3A_90] : memref<10000x128xf32, #tpu.memory_space<vmem>>, vector<10000x128xf32>
    tpu.vector_store %arg10[%swap3A_89, %swap3A_90], %mul3A_88 {strides = array<i32>} : memref<10000x128xf32, #tpu.memory_space<vmem>>, vector<10000x128xf32>,
    return
  }
}

module attributes {stable_mosaic.version = 14 : i64} {
  func.func @_combine_out_body(%arg0: memref<10000x64xf32, #tpu.memory_space<vmem>>, %arg1: memref<2x10000x128xf32, #tpu.memory_space<vmem>>, %arg2: memref<10000x1xf32, #tpu.memory_space<vmem>>, %arg3: memref<1x64xf32, #tpu.memory_space<vmem>>, %arg4: memref<10000x64xf32, #tpu.memory_space<vmem>>) attributes {dimension_semantics = [], scalar_prefetch = 0 : i64, scratch_operands = 0 : i64, tpu.core_type = #tpu.core_type<tc>} {
    %get3A = arith.constant 0 : index
    %get3A_0 = arith.constant 0 : index
    %get3A_1 = arith.constant 0 : index
    %get3A_2 = vector.load %arg1[%get3A, %get3A_0, %get3A_1] : memref<2x10000x128xf32, #tpu.memory_space<vmem>>, vector<2x10000x128xf32>
    %slice3A = vector.extract_strided_slice %get3A_2 {offsets = [0, 0, 0], sizes = [1, 10000, 128], strides = [1, 1, 1]} : vector<2x10000x128xf32> to vector<1x10000x128xf32>
    %squeeze3A = vector.shape_cast %slice3A : vector<1x10000x128xf32> to vector<10000x128xf32>
    %slice3A_3 = vector.extract_strided_slice %get3A_2 {offsets = [1, 0, 0], sizes = [1, 10000, 128], strides = [1, 1, 1]} : vector<2x10000x128xf32> to vector<1x10000x128xf32>
    %squeeze3A_4 = vector.shape_cast %slice3A_3 : vector<1x10000x128xf32> to vector<10000x128xf32>
    %add3A = arith.addf %squeeze3A, %squeeze3A_4 : vector<10000x128xf32>
    %slice3A_5 = vector.extract_strided_slice %add3A {offsets = [0, 0], sizes = [10000, 64], strides = [1, 1]} : vector<10000x128xf32> to vector<10000x64xf32>
    %get3A_6 = arith.constant 0 : index
    %get3A_7 = arith.constant 0 : index
    %get3A_8 = vector.load %arg0[%get3A_6, %get3A_7] : memref<10000x64xf32, #tpu.memory_space<vmem>>, vector<10000x64xf32>
    %get3A_9 = arith.constant 0 : index
    %get3A_10 = arith.constant 0 : index
    %get3A_11 = vector.load %arg2[%get3A_9, %get3A_10] : memref<10000x1xf32, #tpu.memory_space<vmem>>, vector<10000x1xf32>
    %mul3A = vector.broadcast %get3A_11 : vector<10000x1xf32> to vector<10000x64xf32>
    %mul3A_12 = arith.mulf %mul3A, %slice3A_5 : vector<10000x64xf32>
    %add3A_13 = arith.addf %get3A_8, %mul3A_12 : vector<10000x64xf32>
    %get3A_14 = arith.constant 0 : index
    %get3A_15 = arith.constant 0 : index
    %get3A_16 = vector.load %arg3[%get3A_14, %get3A_15] : memref<1x64xf32, #tpu.memory_space<vmem>>, vector<1x64xf32>
    %add3A_17 = vector.broadcast %get3A_16 : vector<1x64xf32> to vector<10000x64xf32>
    %add3A_18 = arith.addf %add3A_13, %add3A_17 : vector<10000x64xf32>
    %swap3A = arith.constant 0 : index
    %swap3A_19 = arith.constant 0 : index
    %swap3A_20 = vector.load %arg4[%swap3A, %swap3A_19] : memref<10000x64xf32, #tpu.memory_space<vmem>>, vector<10000x64xf32>
    tpu.vector_store %arg4[%swap3A, %swap3A_19], %add3A_18 {strides = array<i32>} : memref<10000x64xf32, #tpu.memory_space<vmem>>, vector<10000x64xf32>,
    return
  }
}

module attributes {stable_mosaic.version = 14 : i64} {
  func.func @_combine_mid_body(%arg0: memref<10000x128xf32, #tpu.memory_space<vmem>>, %arg1: memref<2x10000x128xf32, #tpu.memory_space<vmem>>, %arg2: memref<10000x1xf32, #tpu.memory_space<vmem>>, %arg3: memref<10000x128xf32, #tpu.memory_space<vmem>>) attributes {dimension_semantics = [], scalar_prefetch = 0 : i64, scratch_operands = 0 : i64, tpu.core_type = #tpu.core_type<tc>} {
    %get3A = arith.constant 0 : index
    %get3A_0 = arith.constant 0 : index
    %get3A_1 = vector.load %arg2[%get3A, %get3A_0] : memref<10000x1xf32, #tpu.memory_space<vmem>>, vector<10000x1xf32>
    %get3A_2 = arith.constant 0 : index
    %get3A_3 = arith.constant 0 : index
    %get3A_4 = arith.constant 0 : index
    %get3A_5 = vector.load %arg1[%get3A_2, %get3A_3, %get3A_4] : memref<2x10000x128xf32, #tpu.memory_space<vmem>>, vector<2x10000x128xf32>
    %get3A_6 = arith.constant 0 : index
    %get3A_7 = arith.constant 0 : index
    %get3A_8 = vector.load %arg0[%get3A_6, %get3A_7] : memref<10000x128xf32, #tpu.memory_space<vmem>>, vector<10000x128xf32>
    %mul3A = arith.mulf %get3A_1, %get3A_1 : vector<10000x1xf32>
    %slice3A = vector.extract_strided_slice %get3A_5 {offsets = [0, 0, 0], sizes = [1, 10000, 128], strides = [1, 1, 1]} : vector<2x10000x128xf32> to vector<1x10000x128xf32>
    %squeeze3A = vector.shape_cast %slice3A : vector<1x10000x128xf32> to vector<10000x128xf32>
    %slice3A_9 = vector.extract_strided_slice %get3A_5 {offsets = [1, 0, 0], sizes = [1, 10000, 128], strides = [1, 1, 1]} : vector<2x10000x128xf32> to vector<1x10000x128xf32>
    %squeeze3A_10 = vector.shape_cast %slice3A_9 : vector<1x10000x128xf32> to vector<10000x128xf32>
    %add3A = arith.addf %squeeze3A, %squeeze3A_10 : vector<10000x128xf32>
    %mul3A_11 = vector.broadcast %mul3A : vector<10000x1xf32> to vector<10000x128xf32>
    %mul3A_12 = arith.mulf %mul3A_11, %add3A : vector<10000x128xf32>
    %add3A_13 = arith.addf %get3A_8, %mul3A_12 : vector<10000x128xf32>
    %swap3A = arith.constant 0 : index
    %swap3A_14 = arith.constant 0 : index
    %swap3A_15 = vector.load %arg3[%swap3A, %swap3A_14] : memref<10000x128xf32, #tpu.memory_space<vmem>>, vector<10000x128xf32>
    tpu.vector_store %arg3[%swap3A, %swap3A_14], %add3A_13 {strides = array<i32>} : memref<10000x128xf32, #tpu.memory_space<vmem>>, vector<10000x128xf32>,
    return
  }
}

</mosaic_0001>

<sc_bundles>
// kernel: kernel.11.cloned.1.call-start
scs
__scs_entry_jumppad:
0x0: {  	(pc) =	sbr.rel $0x88, $3  }
0x1: {  	(tag) =	ssettag $0x0;
	lr =	simm.s32 $0x1  }
0x2: {  	[smem:$0x3F97] =	sst lr;
	_ =	strace $0xD0000000  }
0x3: {  	_ = 	snop  }
0x4: {  	_ = 	snop  }
0x5: {  	_ = 	snop  }
0x6: {  	_ = 	snop  }
0x7: {  	_ = 	snop  }
__scs_overlays_trampoline_lowered:
0x8: {  	[smem:$0x3FA6] =	sst s0  }
0x9: {  	[smem:$0x3FA7] =	sst s1  }
0xa: {  	[smem:$0x3FA8] =	sst s2  }
0xb: {  	[smem:$0x3FA9] =	sst s3  }
0xc: {  	[smem:$0x3FAA] =	sst s4  }
0xd: {  	[smem:$0x3FAB] =	sst s5  }
0xe: {  	[smem:$0x3FAC] =	sst s6  }
0xf: {  	[smem:$0x3FAD] =	sst s7  }
0x10: {  	[smem:$0x3FAE] =	sst s8  }
0x11: {  	[smem:$0x3FAF] =	sst s9;
	s0 =	simm.s32 @!p0 $0x0  }
0x12: {  	s1 =	sld [smem:$0x3F95];
	s0 =	simm.s32 @p0 $0x1  }
0x13: {  	[smem:$0x3FB0] =	sst s0;
	s0 =	simm.s32 @!p1 $0x0  }
0x14: {  	s2 =	sld [smem:$0x3F94];
	s0 =	simm.s32 @p1 $0x1  }
0x15: {  	[smem:$0x3FB1] =	sst s0;
	s0 =	simm.s32 @!p2 $0x0  }
0x16: {  	s3 =	sld [smem:$0x3FDB];
	s0 =	simm.s32 @p2 $0x1  }
0x17: {  	s4 =	simm.s32 $0x1BF5;
	[smem:$0x3FB3] =	sst s0  }
0x18: {  	s0 =	sld [smem:$0x3F96];
	_ =	swait.ge [sflag:s4], $0x0  }
0x19: {  	s7 =	sld [smem:$0x3F97]  }
0x1a: {  	s8 =	sadd.s32 $0xFFFFE003, lr  }
0x1b: {  	s9 =	sadd.s32 $0xFFFFFEF7, lr;
	s5 =	simm.s32 $0xFFFFFFFF;
	p2 =	slt.u32 s8, $0xFFFFF086  }
0x1c: {  	p1 =	slt.u32 s9, $0xF7A;
	s5 =	simm.s32 @!p2 $0x0  }
0x1d: {  	s5 =	simm.s32 @p1 $0x1;
	p0 =	seq.s32 s7, s2  }
0x1e: {  	s7 =	smul.u32 @!p0 $0xF7A, s2;
	p2 =	seq.s32 @!p0 s5, $0x0  }
0x1f: {  	s9 =	smul.u32 $0xF7A, s1;
	s8 =	simm.s32 @!p0 $0x1BF5;
	p2 =	por !p2, p0  }
0x20: {  	[sflag:s8] =	ssyncset.s32 @!p0 $0xFFFFF086;
	s6 =	sadd.s32 @!p0 s3, s7;
	s7 =	simm.s32 @!p0 $0x108  }
0x21: {  	s3 =	sadd.s32 s3, s9;
	s6 =	sadd.s32 @!p0 $0x88, s6;
	s7 =	simm.s32 @p2 $0x1082  }
0x22: {  	[simem:s7], [sflag:s8] =	dma.local @!p0 [hbm:s6], $0xF7A  }
0x23: {  	s9 =	sor.u32 $0xD0000000, s2;
	s6 =	simm.s32 $0x108;
	_ =	swait.ge @!p0 [sflag:s8], $0x0  }
0x24: {  	s3 =	sadd.s32 $0x88, s3;
	s6 =	simm.s32 @!p1 $0x1082;
	[sflag:s4] =	ssyncset.s32 $0xFFFFF086  }
0x25: {  	[simem:s6], [sflag:s4] =	dma.local [hbm:s3], $0xF7A  }
0x26: {  	[smem:$0x3F97] =	sst s1;
	(tag) =	ssettag s2;
	_ =	strace s9  }
0x27: {  	s1 =	sld [smem:$0x3FA7]  }
0x28: {  	s2 =	sld [smem:$0x3FA8]  }
0x29: {  	s4 =	sld [smem:$0x3FAA]  }
0x2a: {  	p0 =	seq.s32 s5, $0x0;
	s5 =	sld [smem:$0x3FAB]  }
0x2b: {  	s6 =	sld [smem:$0x3FAC]  }
0x2c: {  	s7 =	sld [smem:$0x3FAD]  }
0x2d: {  	s3 =	simm.s32 $0x108;
	s8 =	sld [smem:$0x3FAE]  }
0x2e: {  	s3 =	simm.s32 @!p0 $0x1082;
	s9 =	sld [smem:$0x3FAF]  }
0x2f: {  	lr =	sadd.s32 s0, s3;
	s0 =	sld [smem:$0x3FA6]  }
0x30: {  	s3 =	sld [smem:$0x3FA9]  }
0x31: {  	[smem:$0x3FB2] =	sst s10  }
0x32: {  	s10 =	sld [smem:$0x3FB0];
	_ =	sdelay $0x3  }
0x33: {  	p0 =	seq.s32 s10, $0x1;
	s10 =	sld [smem:$0x3FB2];
	_ =	sdelay $0x3  }
0x34: {  	[smem:$0x3FB2] =	sst s10  }
0x35: {  	s10 =	sld [smem:$0x3FB1];
	_ =	sdelay $0x3  }
0x36: {  	p1 =	seq.s32 s10, $0x1;
	s10 =	sld [smem:$0x3FB2];
	_ =	sdelay $0x3  }
0x37: {  	[smem:$0x3FB2] =	sst s10  }
0x38: {  	s10 =	sld [smem:$0x3FB3]  }
0x39: {  	_ = 	snop;
	(pc) =	sbr.ind lr, $3  }
0x3a: {  	_ = 	snop  }
0x3b: {  	_ = 	snop  }
0x3c: {  	p2 =	seq.s32 s10, $0x1;
	s10 =	sld [smem:$0x3FB2]  }
0x3d: {  	_ =	shalt  }
0x3e: {  	_ =	shalt  }
0x3f: {  	_ =	shalt  }
0x40: {  	_ =	shalt  }
0x41: {  	_ =	shalt  }
0x42: {  	_ =	shalt  }
0x43: {  	_ =	shalt  }
0x44: {  	_ =	shalt  }
0x45: {  	_ =	shalt  }
0x46: {  	_ =	shalt  }
0x47: {  	_ =	shalt  }
0x48: {  	_ =	shalt  }
0x49: {  	_ =	shalt  }
0x4a: {  	_ =	shalt  }
0x4b: {  	_ =	shalt  }
0x4c: {  	_ =	shalt  }
0x4d: {  	_ =	shalt  }
0x4e: {  	_ =	shalt  }
0x4f: {  	_ =	shalt  }
0x50: {  	_ =	shalt  }
0x51: {  	_ =	shalt  }
0x52: {  	_ =	shalt  }
0x53: {  	_ =	shalt  }
0x54: {  	_ =	shalt  }
0x55: {  	_ =	shalt  }
0x56: {  	_ =	shalt  }
0x57: {  	_ =	shalt  }
0x58: {  	_ =	shalt  }
0x59: {  	_ =	shalt  }
0x5a: {  	_ =	shalt  }
0x5b: {  	_ =	shalt  }
0x5c: {  	_ =	shalt  }
0x5d: {  	_ =	shalt  }
0x5e: {  	_ =	shalt  }
0x5f: {  	_ =	shalt  }
0x60: {  	_ =	shalt  }
0x61: {  	_ =	shalt  }
0x62: {  	_ =	shalt  }
0x63: {  	_ =	shalt  }
0x64: {  	_ =	shalt  }
0x65: {  	_ =	shalt  }
0x66: {  	_ =	shalt  }
0x67: {  	_ =	shalt  }
0x68: {  	_ =	shalt  }
0x69: {  	_ =	shalt  }
0x6a: {  	_ =	shalt  }
0x6b: {  	_ =	shalt  }
0x6c: {  	_ =	shalt  }
0x6d: {  	_ =	shalt  }
0x6e: {  	_ =	shalt  }
0x6f: {  	_ =	shalt  }
0x70: {  	_ =	shalt  }
0x71: {  	_ =	shalt  }
0x72: {  	_ =	shalt  }
0x73: {  	_ =	shalt  }
0x74: {  	_ =	shalt  }
0x75: {  	_ =	shalt  }
0x76: {  	_ =	shalt  }
0x77: {  	_ =	shalt  }
0x78: {  	_ =	shalt  }
0x79: {  	_ =	shalt  }
0x7a: {  	_ =	shalt  }
0x7b: {  	_ =	shalt  }
0x7c: {  	_ =	shalt  }
0x7d: {  	_ =	shalt  }
0x7e: {  	_ =	shalt  }
0x7f: {  	_ =	shalt  }
0x80: {  	_ =	shalt  }
0x81: {  	_ =	shalt  }
0x82: {  	_ =	shalt  }
0x83: {  	_ =	shalt  }
0x84: {  	_ =	shalt  }
0x85: {  	_ =	shalt  }
0x86: {  	_ =	shalt  }
0x87: {  	_ =	shalt  }
.Lfunc_end0:
.L_simem_size_0:
called_computation.1_lowered:
.L_overlay_start_0:
0x88: {  	s2 =	sld [smem:$0x3FD9]  }
0x89: {  	s3 =	sld [smem:$0x3FFE];
	_ =	sdelay $0x1  }
0x8a: {  	s1 =	srdreg.scid  }
0x8b: {  	s0 =	sand.u32 $0x1, s1  }
0x8c: {  	s17 =	sshll.u32 s0, $0xA;
	s2 =	sadd.s32 s3, s2  }
0x8d: {  	s2 =	sadd.s32 s2, s17  }
0x8e: {  	[smem:$0x3FBE] =	sst s2  }
0x8f: {  	_ = 	snop  }
0x90: {  	s2 =	sld [smem:$0x3FD0];
	(tm) =	ssettm $0x1  }
0x91: {  	s18 =	sld [smem:$0x3FFB];
	_ =	sdelay $0x3  }
0x92: {  	_ =	strace s18  }
0x93: {  	s3 =	sld [smem:$0x3FFC];
	_ =	sdelay $0x3  }
0x94: {  	_ =	strace s3  }
0x95: {  	s3 =	sld [smem:$0x3FFD];
	_ =	sdelay $0x3  }
0x96: {  	_ =	strace s3  }
0x97: {  	_ =	strace $0x8FFFFFFF  }
0x98: {  	s19 =	sld [smem:$0x3FDB];
	_ =	sdelay $0x1  }
0x99: {  	s4 =	simm.s32 $_scs_section_size  }
0x9a: {  	s5 =	simm.s32 $_size__tile_overlayer_lowered;
	s6 =	simm.s32 $_tile_overlayer_lowered  }
0x9b: {  	s22 =	simm.s32 $0x1BFF;
	s21 =	sshll.u32 s6, $0x1;
	s3 =	sadd.s32 s4, s19  }
0x9c: {  	s7 =	simm.s32 $0x0;
	s20 =	sshll.u32 s5, $0x1;
	s5 =	sadd.s32 s21, s3  }
0x9d: {  	[timem:s7], [sflag:s22] =	dma.local [hbm:s5], s20  }
0x9e: {  	_ =	swait.ge [sflag:s22], s20  }
0x9f: {  	s4 =	ssub.s32 $0x0, s20;
	[sflag:s22] =	ssyncset.done $0x0  }
0xa0: {  	[sflag:s22] =	ssyncadd.s32 s4;
	_ =	sdelay $0x1  }
0xa1: {  	s23 =	simm.s32 $0x1B8B  }
0xa2: {  	_ =	swait.ge [sflag:s23], $0x1  }
0xa3: {  	[sflag:s23] =	ssyncset.done $0x0  }
0xa4: {  	s25 =	simm.s32 $0x1B8E;
	s24 =	sld [smem:$0x3FFE];
	[sflag:s23] =	ssyncadd.s32 $0xFFFFFFFF  }
0xa5: {  	s26 =	simm.s32 $execute0_lowered;
	[smem:$0x3FD2] =	sst s25  }
0xa6: {  	s5 =	sshll.u32 s26, $0x1;
	_ =	strace $0x80000049;
	[dreg:$0x1] =	wrdreg $0xFFFFFFFF  }
0xa7: {  	s28 =	simm.s32 $_size_execute0_lowered;
	s3 =	sadd.s32 s3, s5;
	[dreg:$0x0] =	wrdreg $0x0  }
0xa8: {  	s5 =	sshll.u32 s28, $0x1;
	[dreg:$0x2] =	wrdreg s3  }
0xa9: {  	[dreg:$0x3] =	wrdreg s5  }
0xaa: {  	[dreg:$0x4] =	wrdreg $0xC0  }
0xab: {  	_ =	task [dreg:s7], $0x5FFFF  }
0xac: {  	[dreg:$0x1] =	wrdreg $0xFFFFFFFF  }
0xad: {  	[dreg:$0x0] =	wrdreg $0x60  }
0xae: {  	[dreg:$0x2] =	wrdreg s24  }
0xaf: {  	[dreg:$0x3] =	wrdreg s2  }
0xb0: {  	[dreg:$0x4] =	wrdreg $0x75000  }
0xb1: {  	[dreg:$0x5] =	wrdreg $0x9  }
0xb2: {  	_ =	task.clear_ibuf [dreg:s7], $0x6FFFF;
	_ =	strace $0x90000049  }
0xb3: {  	s29 =	simm.s32 $0x9;
	_ =	strace $0x8000004B  }
0xb4: {  	_ =	swait.ge [sflag:s29], $0x1  }
0xb5: {  	[sflag:s29] =	ssyncadd.s32 $0xFFFFFFFF  }
0xb6: {  	_ =	strace $0x9000004B  }
0xb7: {  	_ =	sfence  }
0xb8: {  	s30 =	sld [smem:$0x0];
	_ =	sdelay $0x2  }
0xb9: {  	s31 =	sshll.u32 s1, $0xD;
	s1 =	sshrl.u32 s1, $0x2  }
0xba: {  	s3 =	sand.u32 $0x4000, s31;
	s1 =	sadd.s32 s1, s30  }
0xbb: {  	s0 =	sor.u32 s3, s0;
	s1 =	sshll.u32 s1, $0x11  }
0xbc: {  	s0 =	sor.u32 s1, s0  }
0xbd: {  	s0 =	sadd.s32 $0x8F2B, s0  }
0xbe: {  	[sflag:s0] =	ssyncadd.remote.s32 $0x1  }
0xbf: {  	_ =	sfence.sel $0xFFFF  }
0xc0: {  	[dreg:$0x0] =	wrdreg $0xFFFFFFFF;
	(pc) =	sbr.abs _section_cstart, $3  }
0xc1: {  	[dreg:$0x1] =	wrdreg $0xFFFFFFFF  }
0xc2: {  	_ =	task.clear_ibuf [dreg:s7], $0x2FFFF;
	_ =	strace $0x9FFFFFFF  }
0xc3: {  	(tm) =	ssettm $0x7FFFFFFF  }
tec
execute0_lowered:
.L_overlay_start_1:
0x0: {  	(tag) =	ssettag $0x1  }
0x1: {  	s3 =	rddreg [dreg:$0x0]  }
0x2: {  	s18 =	rddreg [dreg:$0x1]  }
0x3: {  	s1 =	rddreg [dreg:$0x2]  }
0x4: {  	s0 =	rddreg [dreg:$0x3];
	s2 =	simm.s32 $0x0;
	s4 =	srdreg.scid  }
0x5: {  	s12 =	sand.u32 $0x1, s4;
	s4 =	sadd.s32 $0x6A00, s3;
	s16 =	sadd.s32 $0x1A00, s3  }
0x6: {  	s10 =	sadd.s32 $0x2DC00, s3;
	s3 =	stileid.u32;
	s8 =	smul.u32 $0x138800, s12  }
0x7: {  	s21 =	simm.s32 $0x80;
	s22 =	simm.s32 $0x100;
	s9 =	smul.u32 $0x13800, s3  }
0x8: {  	s23 =	simm.s32 $0x1;
	[smem:$0x7FF] =	sst s2;
	s13 =	smul.u32 $0x4E000, s3  }
0x9: {  	_ =	strace $0x8000004A;
	s5 =	ssub.s32 $0x2, s12;
	s19 =	smul.u32 $0x2700, s12  }
0xa: {  	s30 =	sshll.u32 s12, $0x4;
	s31 =	sshll.u32 s3, $0x4;
	s20 =	smul.u32 $0x270, s3  }
0xb: {  	p0 =	sne.s32 s3, $0xF;
	s6 =	sshrl.u32 s5, $0x1;
	s24 =	sor.u32 s3, s30  }
0xc: {  	s7 =	sor.u32 $0x4E00, s31;
	s11 =	ssub.s32 s5, s6;
	s5 =	sadd.s32 $0x138000, s1  }
0xd: {  	s6 =	sadd.s32 s18, s7;
	s7 =	sadd.s32 s16, s7;
	s9 =	sadd.s32 s9, s8  }
0xe: {  	s13 =	sshrl.u32 s13, $0x2;
	s14 =	sshrl.u32 s8, $0x3;
	s17 =	sadd.s32 s19, s16  }
0xf: {  	s18 =	sadd.s32 s19, s18;
	s19 =	simm.s32 $0x4100;
	p1 =	sgt.u32 s24, $0x1  }
0x10: {  	s24 =	simm.s32 $0x0;
	s9 =	sshrl.u32 s9, $0x3;
	s11 =	smax.u32 s11, $0x1  }
0x11: {  	s17 =	sadd.s32 s20, s17;
	s18 =	sadd.s32 s20, s18;
	s20 =	simm.s32 $0x2  }
0x12: {  	s8 =	sadd.s32 s10, s9;
	s9 =	sadd.s32 s13, s1;
	s10 =	sadd.s32 s10, s14  }
0x13: {  	s10 =	sadd.s32 $0x27000, s10;
	s12 =	sadd.s32 $0x3400, s9;
	s13 =	sadd.s32 $0x6800, s9  }
0x14: {  	v0 =	vimm.f32 $0.0e+00;
	s14 =	sadd.s32 $0x9C00, s9;
	s15 =	sadd.s32 $0xD000, s9;
	s16 =	sadd.s32 $0x10400, s9  }
.LBB2_1:
0x15: {  	s25 =	simm.s32 $0x0;
	s26 =	simm.s32 $0x200  }
.LBB2_2:
0x16: {  	p2 =	sne.s32 s26, $0xCE00;
	[tilespmem:s25+$0x4170] =	vst v0  }
0x17: {  	[tilespmem:s25+$0x4100] =	vst v0  }
0x18: {  	[tilespmem:s25+$0x4110] =	vst v0  }
.Ltmp0:
0x19: {  	[tilespmem:s25+$0x4120] =	vst v0;
	(pc) =	sbr.rel @p2 .LBB2_2-.Ltmp0, $4  }
0x1a: {  	[tilespmem:s25+$0x4130] =	vst v0  }
0x1b: {  	[tilespmem:s25+$0x4140] =	vst v0  }
0x1c: {  	[tilespmem:s25+$0x4150] =	vst v0  }
0x1d: {  	[tilespmem:s25+$0x4160] =	vst v0;
	s25 =	sshra.s32 s26, $0x2;
	s26 =	sadd.s32 $0x200, s26  }
0x1e: {  	[tilespmem:s25+$0x4170] =	vst v0  }
0x1f: {  	[tilespmem:s25+$0x4100] =	vst v0  }
0x20: {  	[tilespmem:s25+$0x4110] =	vst v0  }
0x21: {  	[tilespmem:s25+$0x4120] =	vst v0  }
0x22: {  	[tilespmem:s25+$0x4130] =	vst v0  }
0x23: {  	[tilespmem:s25+$0x4140] =	vst v0  }
0x24: {  	[tilespmem:s25+$0x4150] =	vst v0  }
0x25: {  	[tilespmem:s25+$0x4160] =	vst v0  }
0x26: {  	[spmem:s9] =	stream.linear.scatter [tilespmem:s19], [sflag:$0x2], $0x3400, $0x38;
	[tilespmem:$0x1AD80] =	vst v63  }
0x27: {  	_ =	swait.ge [sflag:s20], $0x3400  }
0x28: {  	[sflag:s20] =	ssyncset.done $0x0  }
0x29: {  	[sflag:s20] =	ssyncadd.s32 $0xFFFFCC00  }
0x2a: {  	[spmem:s12] =	stream.linear.scatter [tilespmem:s19], [sflag:$0x2], $0x3400, $0x38;
	[tilespmem:$0x1AD80] =	vst v63  }
0x2b: {  	_ =	swait.ge [sflag:s20], $0x3400  }
0x2c: {  	[sflag:s20] =	ssyncset.done $0x0  }
0x2d: {  	[sflag:s20] =	ssyncadd.s32 $0xFFFFCC00  }
0x2e: {  	[spmem:s13] =	stream.linear.scatter [tilespmem:s19], [sflag:$0x2], $0x3400, $0x38;
	[tilespmem:$0x1AD80] =	vst v63  }
0x2f: {  	_ =	swait.ge [sflag:s20], $0x3400  }
0x30: {  	[sflag:s20] =	ssyncset.done $0x0  }
0x31: {  	[sflag:s20] =	ssyncadd.s32 $0xFFFFCC00  }
0x32: {  	[spmem:s14] =	stream.linear.scatter [tilespmem:s19], [sflag:$0x2], $0x3400, $0x38;
	[tilespmem:$0x1AD80] =	vst v63  }
0x33: {  	_ =	swait.ge [sflag:s20], $0x3400  }
0x34: {  	[sflag:s20] =	ssyncset.done $0x0  }
0x35: {  	[sflag:s20] =	ssyncadd.s32 $0xFFFFCC00  }
0x36: {  	[spmem:s15] =	stream.linear.scatter [tilespmem:s19], [sflag:$0x2], $0x3400, $0x38;
	[tilespmem:$0x1AD80] =	vst v63  }
0x37: {  	_ =	swait.ge [sflag:s20], $0x3400  }
0x38: {  	[sflag:s20] =	ssyncset.done $0x0  }
0x39: {  	[sflag:s20] =	ssyncadd.s32 $0xFFFFCC00  }
0x3a: {  	[spmem:s16] =	stream.linear.scatter [tilespmem:s19], [sflag:$0x2], $0x3400, $0x38;
	[tilespmem:$0x1AD80] =	vst v63  }
0x3b: {  	_ =	swait.ge [sflag:s20], $0x3400  }
0x3c: {  	[sflag:s20] =	ssyncset.done $0x0  }
0x3d: {  	s25 =	simm.s32 @!p0 $0x4100;
	[sflag:s20] =	ssyncadd.s32 $0xFFFFCC00  }
0x3e: {  	[spmem:s5] =	stream.linear.scatter @!p0 [tilespmem:s25], [sflag:$0x2], $0x800, $0x38;
	[tilespmem:$0x1AD80] =	vst v63  }
0x3f: {  	s25 =	simm.s32 @!p0 $0x2  }
0x40: {  	_ =	swait.ge @!p0 [sflag:s25], $0x800  }
0x41: {  	[sflag:s25] =	ssyncset.done @!p0 $0x0  }
0x42: {  	[sflag:s25] =	ssyncadd.s32 @!p0 $0xFFFFF800  }
0x43: {  	s30 =	sadd.s32 $0x0, s18;
	[bflag:$0x0] =	sbarrier.arrive $0xFFFF  }
0x44: {  	[tilespmem:s2], [sflag:$0x2] =	stream.linear.gather [hbm4b:s30+s2], $0x80, $0x38;
	[tilespmem:$0x1AD80] =	vst v63  }
0x45: {  	_ =	swait.ge [sflag:s20], $0x80  }
0x46: {  	[sflag:s20] =	ssyncset.done $0x0  }
0x47: {  	s31 =	sadd.s32 $0x0, s17;
	[sflag:s20] =	ssyncadd.s32 $0xFFFFFF80  }
0x48: {  	[tilespmem:s21], [sflag:$0x2] =	stream.linear.gather [hbm4b:s31+s2], $0x80, $0x38;
	[tilespmem:$0x1AD80] =	vst v63  }
0x49: {  	_ =	swait.ge [sflag:s20], $0x80  }
0x4a: {  	[sflag:s20] =	ssyncset.done $0x0  }
0x4b: {  	[sflag:s20] =	ssyncadd.s32 $0xFFFFFF80  }
0x4c: {  	[tilespmem:s22], [sflag:$0x1] =	stream.indirect.gather [hbm4b:s4+s21], $0x80, s2, s21, $0xb8;
	[tilespmem:$0x1AD80] =	vst v63  }
0x4d: {  	_ =	swait.ge [sflag:s23], $0x4000  }
0x4e: {  	[sflag:s23] =	ssyncset.done $0x0  }
0x4f: {  	[sflag:s23] =	ssyncadd.s32 $0xFFFFC000  }
0x50: {  	[spmem:s1] =	stream.indirect.scatter.add.f32 [tilespmem:s22], [sflag:$0x2], $0x80, s21, s21, $0xb8;
	[tilespmem:$0x1AD80] =	vst v63  }
0x51: {  	_ =	swait.ge [sflag:s20], $0x4000  }
0x52: {  	s26 =	simm.s32 $0x20;
	s25 =	simm.s32 $0x10;
	[sflag:s20] =	ssyncset.done $0x0  }
.LBB2_4:
0x53: {  	s28 =	sadd.s32 s25, s18  }
0x54: {  	[sflag:s20] =	ssyncadd.s32 $0xFFFFC000;
	s29 =	smov.u32 s26;
	s30 =	sadd.s32 $0x10, s26  }
0x55: {  	[tilespmem:s2], [sflag:$0x2] =	stream.linear.gather [hbm4b:s28+s2], $0x80, $0x38;
	[tilespmem:$0x1AD80] =	vst v63  }
0x56: {  	p2 =	sne.s32 s26, $0x260;
	_ =	swait.ge [sflag:s20], $0x80  }
0x57: {  	[sflag:s20] =	ssyncset.done $0x0  }
0x58: {  	s26 =	sadd.s32 s25, s17;
	s25 =	smov.u32 s29;
	[sflag:s20] =	ssyncadd.s32 $0xFFFFFF80  }
0x59: {  	[tilespmem:s21], [sflag:$0x2] =	stream.linear.gather [hbm4b:s26+s2], $0x80, $0x38;
	[tilespmem:$0x1AD80] =	vst v63  }
0x5a: {  	_ =	swait.ge [sflag:s20], $0x80  }
0x5b: {  	[sflag:s20] =	ssyncset.done $0x0  }
0x5c: {  	[sflag:s20] =	ssyncadd.s32 $0xFFFFFF80  }
0x5d: {  	[tilespmem:s22], [sflag:$0x1] =	stream.indirect.gather [hbm4b:s4+s21], $0x80, s2, s21, $0xb8;
	[tilespmem:$0x1AD80] =	vst v63  }
0x5e: {  	_ =	swait.ge [sflag:s23], $0x4000  }
.Ltmp1:
0x5f: {  	[sflag:s23] =	ssyncset.done $0x0;
	(pc) =	sbr.rel @p2 .LBB2_4-.Ltmp1, $4  }
0x60: {  	[sflag:s23] =	ssyncadd.s32 $0xFFFFC000  }
0x61: {  	[spmem:s1] =	stream.indirect.scatter.add.f32 [tilespmem:s22], [sflag:$0x2], $0x80, s21, s21, $0xb8;
	[tilespmem:$0x1AD80] =	vst v63  }
0x62: {  	_ =	swait.ge [sflag:s20], $0x4000  }
0x63: {  	s26 =	smov.u32 s30;
	[sflag:s20] =	ssyncset.done $0x0  }
0x64: {  	s26 =	sadd.s32 s25, s18;
	[sflag:s20] =	ssyncadd.s32 $0xFFFFC000  }
0x65: {  	[tilespmem:s2], [sflag:$0x2] =	stream.linear.gather [hbm4b:s26+s2], $0x80, $0x38;
	[tilespmem:$0x1AD80] =	vst v63  }
0x66: {  	_ =	swait.ge [sflag:s20], $0x80  }
0x67: {  	[sflag:s20] =	ssyncset.done $0x0  }
0x68: {  	s29 =	sadd.s32 s25, s17;
	[sflag:s20] =	ssyncadd.s32 $0xFFFFFF80  }
0x69: {  	[tilespmem:s21], [sflag:$0x2] =	stream.linear.gather [hbm4b:s29+s2], $0x80, $0x38;
	[tilespmem:$0x1AD80] =	vst v63  }
0x6a: {  	_ =	swait.ge [sflag:s20], $0x80  }
0x6b: {  	[sflag:s20] =	ssyncset.done $0x0  }
0x6c: {  	[sflag:s20] =	ssyncadd.s32 $0xFFFFFF80  }
0x6d: {  	[tilespmem:s22], [sflag:$0x1] =	stream.indirect.gather [hbm4b:s4+s21], $0x80, s2, s21, $0xb8;
	[tilespmem:$0x1AD80] =	vst v63  }
0x6e: {  	_ =	swait.ge [sflag:s23], $0x4000  }
0x6f: {  	[sflag:s23] =	ssyncset.done $0x0  }
0x70: {  	[sflag:s23] =	ssyncadd.s32 $0xFFFFC000  }
0x71: {  	[spmem:s1] =	stream.indirect.scatter.add.f32 [tilespmem:s22], [sflag:$0x2], $0x80, s21, s21, $0xb8;
	[tilespmem:$0x1AD80] =	vst v63  }
0x72: {  	_ =	swait.ge [sflag:s20], $0x4000  }
0x73: {  	[sflag:s20] =	ssyncset.done $0x0  }
0x74: {  	s25 =	simm.s32 @!p1 $0x0;
	s26 =	simm.s32 @!p1 $0x2;
	[sflag:s20] =	ssyncadd.s32 $0xFFFFC000  }
0x75: {  	[tilespmem:s25], [sflag:$0x2] =	stream.linear.gather @!p1 [hbm4b:s6+s25], $0x80, $0x38;
	[tilespmem:$0x1AD80] =	vst v63  }
0x76: {  	_ =	swait.ge @!p1 [sflag:s26], $0x80  }
0x77: {  	[sflag:s26] =	ssyncset.done @!p1 $0x0  }
0x78: {  	s28 =	simm.s32 @!p1 $0x80;
	[sflag:s26] =	ssyncadd.s32 @!p1 $0xFFFFFF80  }
0x79: {  	[tilespmem:s28], [sflag:$0x2] =	stream.linear.gather @!p1 [hbm4b:s7+s25], $0x80, $0x38;
	[tilespmem:$0x1AD80] =	vst v63  }
0x7a: {  	_ =	swait.ge @!p1 [sflag:s26], $0x80  }
0x7b: {  	[sflag:s26] =	ssyncset.done @!p1 $0x0  }
0x7c: {  	s29 =	simm.s32 @!p1 $0x100;
	[sflag:s26] =	ssyncadd.s32 @!p1 $0xFFFFFF80  }
0x7d: {  	[tilespmem:s29], [sflag:$0x1] =	stream.indirect.gather @!p1 [hbm4b:s4+s28], $0x80, s25, s28, $0xb8;
	[tilespmem:$0x1AD80] =	vst v63  }
0x7e: {  	s25 =	simm.s32 @!p1 $0x1  }
0x7f: {  	_ =	swait.ge @!p1 [sflag:s25], $0x4000  }
0x80: {  	[sflag:s25] =	ssyncset.done @!p1 $0x0  }
0x81: {  	[sflag:s25] =	ssyncadd.s32 @!p1 $0xFFFFC000  }
0x82: {  	[spmem:s1] =	stream.indirect.scatter.add.f32 @!p1 [tilespmem:s29], [sflag:$0x2], $0x80, s28, s28, $0xb8;
	[tilespmem:$0x1AD80] =	vst v63  }
0x83: {  	_ =	swait.ge @!p1 [sflag:s26], $0x4000  }
0x84: {  	[sflag:s26] =	ssyncset.done @!p1 $0x0  }
0x85: {  	s30 =	sshll.u32 s3, $0x6;
	[sflag:s26] =	ssyncadd.s32 @!p1 $0xFFFFC000  }
0x86: {  	s31 =	sshrl.u32 s9, $0x3;
	s25 =	sor.u32 $0x1C02, s30;
	[bflag:$0x0] =	sbarrier.arrive $0xFFFF  }
0x87: {  	[hbm:s8], [sflag:s25] =	dma.local [spmem:s31], $0x2700  }
0x88: {  	_ =	swait.ge [sflag:s20], $0x2700  }
0x89: {  	s24 =	sadd.s32 $0x1, s24;
	[sflag:s20] =	ssyncset.done $0x0  }
0x8a: {  	p2 =	sne.s32 s24, s11;
	s26 =	sshrl.u32 @!p0 s5, $0x3;
	[sflag:s20] =	ssyncadd.s32 $0xFFFFD900  }
0x8b: {  	[hbm:s10], [sflag:s25] =	dma.local @!p0 [spmem:s26], $0x100  }
.Ltmp2:
0x8c: {  	_ = 	snop;
	(pc) =	sbr.rel @p2 .LBB2_1-.Ltmp2, $4  }
0x8d: {  	s25 =	simm.s32 @!p0 $0x2  }
0x8e: {  	_ =	swait.ge @!p0 [sflag:s25], $0x100  }
0x8f: {  	[sflag:s25] =	ssyncset.done @!p0 $0x0  }
0x90: {  	[sflag:s25] =	ssyncadd.s32 @!p0 $0xFFFFFF00  }
0x91: {  	_ =	sfence.sel $0x180000  }
0x92: {  	[bflag:$0x0] =	sbarrier.arrive $0xFFFF  }
0x93: {  	p0 =	sne.s32 s3, $0x0;
	_ =	strace $0x9000004A  }
0x94: {  	s0 =	sadd.s32 @!p0 $0x100000, s0;
	[bflag:$0x2] =	sbarrier.arrive $0xFFFF  }
0x95: {  	[sflag:s0] =	ssyncadd.tile.s32 @!p0 $0x1;
	_ =	shalt  }
.Lfunc_end2:
_tile_overlayer_lowered:
.L_overlay_start_2:
0x96: {  	(tag) =	ssettag $0x2  }
0x97: {  	s0 =	rddreg [dreg:$0x0];
	s2 =	stileid.u32  }
0x98: {  	s1 =	rddreg [dreg:$0x1];
	p0 =	sne.s32 s2, $0x0  }
0x99: {  	s3 =	rddreg [dreg:$0x2];
	[bflag:$0x3] =	sbarrier.arrive $0xFFFF;
	s2 =	simm.s32 @!p0 $0x1C02  }
0x9a: {  	[timem:s3], [sflag:s2] =	dma.local @!p0 [hbm:s0], s1  }
0x9b: {  	s0 =	simm.s32 @!p0 $0x2  }
0x9c: {  	_ =	swait.ge @!p0 [sflag:s0], s1  }
0x9d: {  	s1 =	ssub.s32 @!p0 $0x0, s1;
	[sflag:s0] =	ssyncset.done @!p0 $0x0  }
0x9e: {  	[sflag:s0] =	ssyncadd.s32 @!p0 s1  }
0x9f: {  	[bflag:$0x3] =	sbarrier.arrive $0xFFFF  }
0xa0: {  	_ =	shalt  }

// kernel: kernel.14.cloned.1.call-start
scs
__scs_entry_jumppad:
0x0: {  	(pc) =	sbr.rel $0x88, $3  }
0x1: {  	(tag) =	ssettag $0x0;
	lr =	simm.s32 $0x1  }
0x2: {  	[smem:$0x3F97] =	sst lr;
	_ =	strace $0xD0000000  }
0x3: {  	_ = 	snop  }
0x4: {  	_ = 	snop  }
0x5: {  	_ = 	snop  }
0x6: {  	_ = 	snop  }
0x7: {  	_ = 	snop  }
__scs_overlays_trampoline_lowered:
0x8: {  	[smem:$0x3FA6] =	sst s0  }
0x9: {  	[smem:$0x3FA7] =	sst s1  }
0xa: {  	[smem:$0x3FA8] =	sst s2  }
0xb: {  	[smem:$0x3FA9] =	sst s3  }
0xc: {  	[smem:$0x3FAA] =	sst s4  }
0xd: {  	[smem:$0x3FAB] =	sst s5  }
0xe: {  	[smem:$0x3FAC] =	sst s6  }
0xf: {  	[smem:$0x3FAD] =	sst s7  }
0x10: {  	[smem:$0x3FAE] =	sst s8  }
0x11: {  	[smem:$0x3FAF] =	sst s9;
	s0 =	simm.s32 @!p0 $0x0  }
0x12: {  	s1 =	sld [smem:$0x3F95];
	s0 =	simm.s32 @p0 $0x1  }
0x13: {  	[smem:$0x3FB0] =	sst s0;
	s0 =	simm.s32 @!p1 $0x0  }
0x14: {  	s2 =	sld [smem:$0x3F94];
	s0 =	simm.s32 @p1 $0x1  }
0x15: {  	[smem:$0x3FB1] =	sst s0;
	s0 =	simm.s32 @!p2 $0x0  }
0x16: {  	s3 =	sld [smem:$0x3FDB];
	s0 =	simm.s32 @p2 $0x1  }
0x17: {  	s4 =	simm.s32 $0x1BF5;
	[smem:$0x3FB3] =	sst s0  }
0x18: {  	s0 =	sld [smem:$0x3F96];
	_ =	swait.ge [sflag:s4], $0x0  }
0x19: {  	s7 =	sld [smem:$0x3F97]  }
0x1a: {  	s8 =	sadd.s32 $0xFFFFE003, lr  }
0x1b: {  	s9 =	sadd.s32 $0xFFFFFEF7, lr;
	s5 =	simm.s32 $0xFFFFFFFF;
	p2 =	slt.u32 s8, $0xFFFFF086  }
0x1c: {  	p1 =	slt.u32 s9, $0xF7A;
	s5 =	simm.s32 @!p2 $0x0  }
0x1d: {  	s5 =	simm.s32 @p1 $0x1;
	p0 =	seq.s32 s7, s2  }
0x1e: {  	s7 =	smul.u32 @!p0 $0xF7A, s2;
	p2 =	seq.s32 @!p0 s5, $0x0  }
0x1f: {  	s9 =	smul.u32 $0xF7A, s1;
	s8 =	simm.s32 @!p0 $0x1BF5;
	p2 =	por !p2, p0  }
0x20: {  	[sflag:s8] =	ssyncset.s32 @!p0 $0xFFFFF086;
	s6 =	sadd.s32 @!p0 s3, s7;
	s7 =	simm.s32 @!p0 $0x108  }
0x21: {  	s3 =	sadd.s32 s3, s9;
	s6 =	sadd.s32 @!p0 $0x88, s6;
	s7 =	simm.s32 @p2 $0x1082  }
0x22: {  	[simem:s7], [sflag:s8] =	dma.local @!p0 [hbm:s6], $0xF7A  }
0x23: {  	s9 =	sor.u32 $0xD0000000, s2;
	s6 =	simm.s32 $0x108;
	_ =	swait.ge @!p0 [sflag:s8], $0x0  }
0x24: {  	s3 =	sadd.s32 $0x88, s3;
	s6 =	simm.s32 @!p1 $0x1082;
	[sflag:s4] =	ssyncset.s32 $0xFFFFF086  }
0x25: {  	[simem:s6], [sflag:s4] =	dma.local [hbm:s3], $0xF7A  }
0x26: {  	[smem:$0x3F97] =	sst s1;
	(tag) =	ssettag s2;
	_ =	strace s9  }
0x27: {  	s1 =	sld [smem:$0x3FA7]  }
0x28: {  	s2 =	sld [smem:$0x3FA8]  }
0x29: {  	s4 =	sld [smem:$0x3FAA]  }
0x2a: {  	p0 =	seq.s32 s5, $0x0;
	s5 =	sld [smem:$0x3FAB]  }
0x2b: {  	s6 =	sld [smem:$0x3FAC]  }
0x2c: {  	s7 =	sld [smem:$0x3FAD]  }
0x2d: {  	s3 =	simm.s32 $0x108;
	s8 =	sld [smem:$0x3FAE]  }
0x2e: {  	s3 =	simm.s32 @!p0 $0x1082;
	s9 =	sld [smem:$0x3FAF]  }
0x2f: {  	lr =	sadd.s32 s0, s3;
	s0 =	sld [smem:$0x3FA6]  }
0x30: {  	s3 =	sld [smem:$0x3FA9]  }
0x31: {  	[smem:$0x3FB2] =	sst s10  }
0x32: {  	s10 =	sld [smem:$0x3FB0];
	_ =	sdelay $0x3  }
0x33: {  	p0 =	seq.s32 s10, $0x1;
	s10 =	sld [smem:$0x3FB2];
	_ =	sdelay $0x3  }
0x34: {  	[smem:$0x3FB2] =	sst s10  }
0x35: {  	s10 =	sld [smem:$0x3FB1];
	_ =	sdelay $0x3  }
0x36: {  	p1 =	seq.s32 s10, $0x1;
	s10 =	sld [smem:$0x3FB2];
	_ =	sdelay $0x3  }
0x37: {  	[smem:$0x3FB2] =	sst s10  }
0x38: {  	s10 =	sld [smem:$0x3FB3]  }
0x39: {  	_ = 	snop;
	(pc) =	sbr.ind lr, $3  }
0x3a: {  	_ = 	snop  }
0x3b: {  	_ = 	snop  }
0x3c: {  	p2 =	seq.s32 s10, $0x1;
	s10 =	sld [smem:$0x3FB2]  }
0x3d: {  	_ =	shalt  }
0x3e: {  	_ =	shalt  }
0x3f: {  	_ =	shalt  }
0x40: {  	_ =	shalt  }
0x41: {  	_ =	shalt  }
0x42: {  	_ =	shalt  }
0x43: {  	_ =	shalt  }
0x44: {  	_ =	shalt  }
0x45: {  	_ =	shalt  }
0x46: {  	_ =	shalt  }
0x47: {  	_ =	shalt  }
0x48: {  	_ =	shalt  }
0x49: {  	_ =	shalt  }
0x4a: {  	_ =	shalt  }
0x4b: {  	_ =	shalt  }
0x4c: {  	_ =	shalt  }
0x4d: {  	_ =	shalt  }
0x4e: {  	_ =	shalt  }
0x4f: {  	_ =	shalt  }
0x50: {  	_ =	shalt  }
0x51: {  	_ =	shalt  }
0x52: {  	_ =	shalt  }
0x53: {  	_ =	shalt  }
0x54: {  	_ =	shalt  }
0x55: {  	_ =	shalt  }
0x56: {  	_ =	shalt  }
0x57: {  	_ =	shalt  }
0x58: {  	_ =	shalt  }
0x59: {  	_ =	shalt  }
0x5a: {  	_ =	shalt  }
0x5b: {  	_ =	shalt  }
0x5c: {  	_ =	shalt  }
0x5d: {  	_ =	shalt  }
0x5e: {  	_ =	shalt  }
0x5f: {  	_ =	shalt  }
0x60: {  	_ =	shalt  }
0x61: {  	_ =	shalt  }
0x62: {  	_ =	shalt  }
0x63: {  	_ =	shalt  }
0x64: {  	_ =	shalt  }
0x65: {  	_ =	shalt  }
0x66: {  	_ =	shalt  }
0x67: {  	_ =	shalt  }
0x68: {  	_ =	shalt  }
0x69: {  	_ =	shalt  }
0x6a: {  	_ =	shalt  }
0x6b: {  	_ =	shalt  }
0x6c: {  	_ =	shalt  }
0x6d: {  	_ =	shalt  }
0x6e: {  	_ =	shalt  }
0x6f: {  	_ =	shalt  }
0x70: {  	_ =	shalt  }
0x71: {  	_ =	shalt  }
0x72: {  	_ =	shalt  }
0x73: {  	_ =	shalt  }
0x74: {  	_ =	shalt  }
0x75: {  	_ =	shalt  }
0x76: {  	_ =	shalt  }
0x77: {  	_ =	shalt  }
0x78: {  	_ =	shalt  }
0x79: {  	_ =	shalt  }
0x7a: {  	_ =	shalt  }
0x7b: {  	_ =	shalt  }
0x7c: {  	_ =	shalt  }
0x7d: {  	_ =	shalt  }
0x7e: {  	_ =	shalt  }
0x7f: {  	_ =	shalt  }
0x80: {  	_ =	shalt  }
0x81: {  	_ =	shalt  }
0x82: {  	_ =	shalt  }
0x83: {  	_ =	shalt  }
0x84: {  	_ =	shalt  }
0x85: {  	_ =	shalt  }
0x86: {  	_ =	shalt  }
0x87: {  	_ =	shalt  }
.Lfunc_end0:
.L_simem_size_0:
called_computation.2_lowered:
.L_overlay_start_0:
0x88: {  	s2 =	sld [smem:$0x3FD9]  }
0x89: {  	s3 =	sld [smem:$0x3FFE];
	_ =	sdelay $0x1  }
0x8a: {  	s1 =	srdreg.scid  }
0x8b: {  	s0 =	sand.u32 $0x1, s1  }
0x8c: {  	s17 =	sshll.u32 s0, $0xA;
	s2 =	sadd.s32 s3, s2  }
0x8d: {  	s2 =	sadd.s32 s2, s17  }
0x8e: {  	[smem:$0x3FBE] =	sst s2  }
0x8f: {  	_ = 	snop  }
0x90: {  	s2 =	sld [smem:$0x3FD0];
	(tm) =	ssettm $0x1  }
0x91: {  	s18 =	sld [smem:$0x3FFB];
	_ =	sdelay $0x3  }
0x92: {  	_ =	strace s18  }
0x93: {  	s3 =	sld [smem:$0x3FFC];
	_ =	sdelay $0x3  }
0x94: {  	_ =	strace s3  }
0x95: {  	s3 =	sld [smem:$0x3FFD];
	_ =	sdelay $0x3  }
0x96: {  	_ =	strace s3  }
0x97: {  	_ =	strace $0x8FFFFFFF  }
0x98: {  	s19 =	sld [smem:$0x3FDB];
	_ =	sdelay $0x1  }
0x99: {  	s4 =	simm.s32 $_scs_section_size  }
0x9a: {  	s5 =	simm.s32 $_size__tile_overlayer_lowered;
	s6 =	simm.s32 $_tile_overlayer_lowered  }
0x9b: {  	s22 =	simm.s32 $0x1BFF;
	s21 =	sshll.u32 s6, $0x1;
	s3 =	sadd.s32 s4, s19  }
0x9c: {  	s7 =	simm.s32 $0x0;
	s20 =	sshll.u32 s5, $0x1;
	s5 =	sadd.s32 s21, s3  }
0x9d: {  	[timem:s7], [sflag:s22] =	dma.local [hbm:s5], s20  }
0x9e: {  	_ =	swait.ge [sflag:s22], s20  }
0x9f: {  	s4 =	ssub.s32 $0x0, s20;
	[sflag:s22] =	ssyncset.done $0x0  }
0xa0: {  	[sflag:s22] =	ssyncadd.s32 s4;
	_ =	sdelay $0x1  }
0xa1: {  	s23 =	simm.s32 $0x1B8B  }
0xa2: {  	_ =	swait.ge [sflag:s23], $0x1  }
0xa3: {  	[sflag:s23] =	ssyncset.done $0x0  }
0xa4: {  	s25 =	simm.s32 $0x1B8E;
	s24 =	sld [smem:$0x3FFE];
	[sflag:s23] =	ssyncadd.s32 $0xFFFFFFFF  }
0xa5: {  	s26 =	simm.s32 $execute0_lowered;
	[smem:$0x3FD2] =	sst s25  }
0xa6: {  	s5 =	sshll.u32 s26, $0x1;
	_ =	strace $0x8000004C;
	[dreg:$0x1] =	wrdreg $0xFFFFFFFF  }
0xa7: {  	s28 =	simm.s32 $_size_execute0_lowered;
	s3 =	sadd.s32 s3, s5;
	[dreg:$0x0] =	wrdreg $0x0  }
0xa8: {  	s5 =	sshll.u32 s28, $0x1;
	[dreg:$0x2] =	wrdreg s3  }
0xa9: {  	[dreg:$0x3] =	wrdreg s5  }
0xaa: {  	[dreg:$0x4] =	wrdreg $0xC0  }
0xab: {  	_ =	task [dreg:s7], $0x5FFFF  }
0xac: {  	[dreg:$0x1] =	wrdreg $0xFFFFFFFF  }
0xad: {  	[dreg:$0x0] =	wrdreg $0x60  }
0xae: {  	[dreg:$0x2] =	wrdreg s24  }
0xaf: {  	[dreg:$0x3] =	wrdreg s2  }
0xb0: {  	[dreg:$0x4] =	wrdreg $0x75000  }
0xb1: {  	[dreg:$0x5] =	wrdreg $0x9  }
0xb2: {  	_ =	task.clear_ibuf [dreg:s7], $0x6FFFF;
	_ =	strace $0x9000004C  }
0xb3: {  	s29 =	simm.s32 $0x9;
	_ =	strace $0x8000004E  }
0xb4: {  	_ =	swait.ge [sflag:s29], $0x1  }
0xb5: {  	[sflag:s29] =	ssyncadd.s32 $0xFFFFFFFF  }
0xb6: {  	_ =	strace $0x9000004E  }
0xb7: {  	_ =	sfence  }
0xb8: {  	s30 =	sld [smem:$0x0];
	_ =	sdelay $0x2  }
0xb9: {  	s31 =	sshll.u32 s1, $0xD;
	s1 =	sshrl.u32 s1, $0x2  }
0xba: {  	s3 =	sand.u32 $0x4000, s31;
	s1 =	sadd.s32 s1, s30  }
0xbb: {  	s0 =	sor.u32 s3, s0;
	s1 =	sshll.u32 s1, $0x11  }
0xbc: {  	s0 =	sor.u32 s1, s0  }
0xbd: {  	s0 =	sadd.s32 $0x8F2B, s0  }
0xbe: {  	[sflag:s0] =	ssyncadd.remote.s32 $0x1  }
0xbf: {  	_ =	sfence.sel $0xFFFF  }
0xc0: {  	[dreg:$0x0] =	wrdreg $0xFFFFFFFF;
	(pc) =	sbr.abs _section_cstart, $3  }
0xc1: {  	[dreg:$0x1] =	wrdreg $0xFFFFFFFF  }
0xc2: {  	_ =	task.clear_ibuf [dreg:s7], $0x2FFFF;
	_ =	strace $0x9FFFFFFF  }
0xc3: {  	(tm) =	ssettm $0x7FFFFFFF  }
tec
execute0_lowered:
.L_overlay_start_1:
0x0: {  	(tag) =	ssettag $0x1  }
0x1: {  	s3 =	rddreg [dreg:$0x0]  }
0x2: {  	s18 =	rddreg [dreg:$0x1]  }
0x3: {  	s1 =	rddreg [dreg:$0x2]  }
0x4: {  	s0 =	rddreg [dreg:$0x3];
	s2 =	simm.s32 $0x0;
	s4 =	srdreg.scid  }
0x5: {  	s12 =	sand.u32 $0x1, s4;
	s4 =	sadd.s32 $0x6A00, s3;
	s16 =	sadd.s32 $0x1A00, s3  }
0x6: {  	s10 =	sadd.s32 $0x2DC00, s3;
	s3 =	stileid.u32;
	s8 =	smul.u32 $0x138800, s12  }
0x7: {  	s21 =	simm.s32 $0x80;
	s22 =	simm.s32 $0x100;
	s9 =	smul.u32 $0x13800, s3  }
0x8: {  	s23 =	simm.s32 $0x1;
	[smem:$0x7FF] =	sst s2;
	s13 =	smul.u32 $0x4E000, s3  }
0x9: {  	_ =	strace $0x8000004D;
	s5 =	ssub.s32 $0x2, s12;
	s19 =	smul.u32 $0x2700, s12  }
0xa: {  	s30 =	sshll.u32 s12, $0x4;
	s31 =	sshll.u32 s3, $0x4;
	s20 =	smul.u32 $0x270, s3  }
0xb: {  	p0 =	sne.s32 s3, $0xF;
	s6 =	sshrl.u32 s5, $0x1;
	s24 =	sor.u32 s3, s30  }
0xc: {  	s7 =	sor.u32 $0x4E00, s31;
	s11 =	ssub.s32 s5, s6;
	s5 =	sadd.s32 $0x138000, s1  }
0xd: {  	s6 =	sadd.s32 s18, s7;
	s7 =	sadd.s32 s16, s7;
	s9 =	sadd.s32 s9, s8  }
0xe: {  	s13 =	sshrl.u32 s13, $0x2;
	s14 =	sshrl.u32 s8, $0x3;
	s17 =	sadd.s32 s19, s16  }
0xf: {  	s18 =	sadd.s32 s19, s18;
	s19 =	simm.s32 $0x4100;
	p1 =	sgt.u32 s24, $0x1  }
0x10: {  	s24 =	simm.s32 $0x0;
	s9 =	sshrl.u32 s9, $0x3;
	s11 =	smax.u32 s11, $0x1  }
0x11: {  	s17 =	sadd.s32 s20, s17;
	s18 =	sadd.s32 s20, s18;
	s20 =	simm.s32 $0x2  }
0x12: {  	s8 =	sadd.s32 s10, s9;
	s9 =	sadd.s32 s13, s1;
	s10 =	sadd.s32 s10, s14  }
0x13: {  	s10 =	sadd.s32 $0x27000, s10;
	s12 =	sadd.s32 $0x3400, s9;
	s13 =	sadd.s32 $0x6800, s9  }
0x14: {  	v0 =	vimm.f32 $0.0e+00;
	s14 =	sadd.s32 $0x9C00, s9;
	s15 =	sadd.s32 $0xD000, s9;
	s16 =	sadd.s32 $0x10400, s9  }
.LBB2_1:
0x15: {  	s25 =	simm.s32 $0x0;
	s26 =	simm.s32 $0x200  }
.LBB2_2:
0x16: {  	p2 =	sne.s32 s26, $0xCE00;
	[tilespmem:s25+$0x4170] =	vst v0  }
0x17: {  	[tilespmem:s25+$0x4100] =	vst v0  }
0x18: {  	[tilespmem:s25+$0x4110] =	vst v0  }
.Ltmp0:
0x19: {  	[tilespmem:s25+$0x4120] =	vst v0;
	(pc) =	sbr.rel @p2 .LBB2_2-.Ltmp0, $4  }
0x1a: {  	[tilespmem:s25+$0x4130] =	vst v0  }
0x1b: {  	[tilespmem:s25+$0x4140] =	vst v0  }
0x1c: {  	[tilespmem:s25+$0x4150] =	vst v0  }
0x1d: {  	[tilespmem:s25+$0x4160] =	vst v0;
	s25 =	sshra.s32 s26, $0x2;
	s26 =	sadd.s32 $0x200, s26  }
0x1e: {  	[tilespmem:s25+$0x4170] =	vst v0  }
0x1f: {  	[tilespmem:s25+$0x4100] =	vst v0  }
0x20: {  	[tilespmem:s25+$0x4110] =	vst v0  }
0x21: {  	[tilespmem:s25+$0x4120] =	vst v0  }
0x22: {  	[tilespmem:s25+$0x4130] =	vst v0  }
0x23: {  	[tilespmem:s25+$0x4140] =	vst v0  }
0x24: {  	[tilespmem:s25+$0x4150] =	vst v0  }
0x25: {  	[tilespmem:s25+$0x4160] =	vst v0  }
0x26: {  	[spmem:s9] =	stream.linear.scatter [tilespmem:s19], [sflag:$0x2], $0x3400, $0x38;
	[tilespmem:$0x1AD80] =	vst v63  }
0x27: {  	_ =	swait.ge [sflag:s20], $0x3400  }
0x28: {  	[sflag:s20] =	ssyncset.done $0x0  }
0x29: {  	[sflag:s20] =	ssyncadd.s32 $0xFFFFCC00  }
0x2a: {  	[spmem:s12] =	stream.linear.scatter [tilespmem:s19], [sflag:$0x2], $0x3400, $0x38;
	[tilespmem:$0x1AD80] =	vst v63  }
0x2b: {  	_ =	swait.ge [sflag:s20], $0x3400  }
0x2c: {  	[sflag:s20] =	ssyncset.done $0x0  }
0x2d: {  	[sflag:s20] =	ssyncadd.s32 $0xFFFFCC00  }
0x2e: {  	[spmem:s13] =	stream.linear.scatter [tilespmem:s19], [sflag:$0x2], $0x3400, $0x38;
	[tilespmem:$0x1AD80] =	vst v63  }
0x2f: {  	_ =	swait.ge [sflag:s20], $0x3400  }
0x30: {  	[sflag:s20] =	ssyncset.done $0x0  }
0x31: {  	[sflag:s20] =	ssyncadd.s32 $0xFFFFCC00  }
0x32: {  	[spmem:s14] =	stream.linear.scatter [tilespmem:s19], [sflag:$0x2], $0x3400, $0x38;
	[tilespmem:$0x1AD80] =	vst v63  }
0x33: {  	_ =	swait.ge [sflag:s20], $0x3400  }
0x34: {  	[sflag:s20] =	ssyncset.done $0x0  }
0x35: {  	[sflag:s20] =	ssyncadd.s32 $0xFFFFCC00  }
0x36: {  	[spmem:s15] =	stream.linear.scatter [tilespmem:s19], [sflag:$0x2], $0x3400, $0x38;
	[tilespmem:$0x1AD80] =	vst v63  }
0x37: {  	_ =	swait.ge [sflag:s20], $0x3400  }
0x38: {  	[sflag:s20] =	ssyncset.done $0x0  }
0x39: {  	[sflag:s20] =	ssyncadd.s32 $0xFFFFCC00  }
0x3a: {  	[spmem:s16] =	stream.linear.scatter [tilespmem:s19], [sflag:$0x2], $0x3400, $0x38;
	[tilespmem:$0x1AD80] =	vst v63  }
0x3b: {  	_ =	swait.ge [sflag:s20], $0x3400  }
0x3c: {  	[sflag:s20] =	ssyncset.done $0x0  }
0x3d: {  	s25 =	simm.s32 @!p0 $0x4100;
	[sflag:s20] =	ssyncadd.s32 $0xFFFFCC00  }
0x3e: {  	[spmem:s5] =	stream.linear.scatter @!p0 [tilespmem:s25], [sflag:$0x2], $0x800, $0x38;
	[tilespmem:$0x1AD80] =	vst v63  }
0x3f: {  	s25 =	simm.s32 @!p0 $0x2  }
0x40: {  	_ =	swait.ge @!p0 [sflag:s25], $0x800  }
0x41: {  	[sflag:s25] =	ssyncset.done @!p0 $0x0  }
0x42: {  	[sflag:s25] =	ssyncadd.s32 @!p0 $0xFFFFF800  }
0x43: {  	s30 =	sadd.s32 $0x0, s18;
	[bflag:$0x0] =	sbarrier.arrive $0xFFFF  }
0x44: {  	[tilespmem:s2], [sflag:$0x2] =	stream.linear.gather [hbm4b:s30+s2], $0x80, $0x38;
	[tilespmem:$0x1AD80] =	vst v63  }
0x45: {  	_ =	swait.ge [sflag:s20], $0x80  }
0x46: {  	[sflag:s20] =	ssyncset.done $0x0  }
0x47: {  	s31 =	sadd.s32 $0x0, s17;
	[sflag:s20] =	ssyncadd.s32 $0xFFFFFF80  }
0x48: {  	[tilespmem:s21], [sflag:$0x2] =	stream.linear.gather [hbm4b:s31+s2], $0x80, $0x38;
	[tilespmem:$0x1AD80] =	vst v63  }
0x49: {  	_ =	swait.ge [sflag:s20], $0x80  }
0x4a: {  	[sflag:s20] =	ssyncset.done $0x0  }
0x4b: {  	[sflag:s20] =	ssyncadd.s32 $0xFFFFFF80  }
0x4c: {  	[tilespmem:s22], [sflag:$0x1] =	stream.indirect.gather [hbm4b:s4+s21], $0x80, s2, s21, $0xb8;
	[tilespmem:$0x1AD80] =	vst v63  }
0x4d: {  	_ =	swait.ge [sflag:s23], $0x4000  }
0x4e: {  	[sflag:s23] =	ssyncset.done $0x0  }
0x4f: {  	[sflag:s23] =	ssyncadd.s32 $0xFFFFC000  }
0x50: {  	[spmem:s1] =	stream.indirect.scatter.add.f32 [tilespmem:s22], [sflag:$0x2], $0x80, s21, s21, $0xb8;
	[tilespmem:$0x1AD80] =	vst v63  }
0x51: {  	_ =	swait.ge [sflag:s20], $0x4000  }
0x52: {  	s26 =	simm.s32 $0x20;
	s25 =	simm.s32 $0x10;
	[sflag:s20] =	ssyncset.done $0x0  }
.LBB2_4:
0x53: {  	s28 =	sadd.s32 s25, s18  }
0x54: {  	[sflag:s20] =	ssyncadd.s32 $0xFFFFC000;
	s29 =	smov.u32 s26;
	s30 =	sadd.s32 $0x10, s26  }
0x55: {  	[tilespmem:s2], [sflag:$0x2] =	stream.linear.gather [hbm4b:s28+s2], $0x80, $0x38;
	[tilespmem:$0x1AD80] =	vst v63  }
0x56: {  	p2 =	sne.s32 s26, $0x260;
	_ =	swait.ge [sflag:s20], $0x80  }
0x57: {  	[sflag:s20] =	ssyncset.done $0x0  }
0x58: {  	s26 =	sadd.s32 s25, s17;
	s25 =	smov.u32 s29;
	[sflag:s20] =	ssyncadd.s32 $0xFFFFFF80  }
0x59: {  	[tilespmem:s21], [sflag:$0x2] =	stream.linear.gather [hbm4b:s26+s2], $0x80, $0x38;
	[tilespmem:$0x1AD80] =	vst v63  }
0x5a: {  	_ =	swait.ge [sflag:s20], $0x80  }
0x5b: {  	[sflag:s20] =	ssyncset.done $0x0  }
0x5c: {  	[sflag:s20] =	ssyncadd.s32 $0xFFFFFF80  }
0x5d: {  	[tilespmem:s22], [sflag:$0x1] =	stream.indirect.gather [hbm4b:s4+s21], $0x80, s2, s21, $0xb8;
	[tilespmem:$0x1AD80] =	vst v63  }
0x5e: {  	_ =	swait.ge [sflag:s23], $0x4000  }
.Ltmp1:
0x5f: {  	[sflag:s23] =	ssyncset.done $0x0;
	(pc) =	sbr.rel @p2 .LBB2_4-.Ltmp1, $4  }
0x60: {  	[sflag:s23] =	ssyncadd.s32 $0xFFFFC000  }
0x61: {  	[spmem:s1] =	stream.indirect.scatter.add.f32 [tilespmem:s22], [sflag:$0x2], $0x80, s21, s21, $0xb8;
	[tilespmem:$0x1AD80] =	vst v63  }
0x62: {  	_ =	swait.ge [sflag:s20], $0x4000  }
0x63: {  	s26 =	smov.u32 s30;
	[sflag:s20] =	ssyncset.done $0x0  }
0x64: {  	s26 =	sadd.s32 s25, s18;
	[sflag:s20] =	ssyncadd.s32 $0xFFFFC000  }
0x65: {  	[tilespmem:s2], [sflag:$0x2] =	stream.linear.gather [hbm4b:s26+s2], $0x80, $0x38;
	[tilespmem:$0x1AD80] =	vst v63  }
0x66: {  	_ =	swait.ge [sflag:s20], $0x80  }
0x67: {  	[sflag:s20] =	ssyncset.done $0x0  }
0x68: {  	s29 =	sadd.s32 s25, s17;
	[sflag:s20] =	ssyncadd.s32 $0xFFFFFF80  }
0x69: {  	[tilespmem:s21], [sflag:$0x2] =	stream.linear.gather [hbm4b:s29+s2], $0x80, $0x38;
	[tilespmem:$0x1AD80] =	vst v63  }
0x6a: {  	_ =	swait.ge [sflag:s20], $0x80  }
0x6b: {  	[sflag:s20] =	ssyncset.done $0x0  }
0x6c: {  	[sflag:s20] =	ssyncadd.s32 $0xFFFFFF80  }
0x6d: {  	[tilespmem:s22], [sflag:$0x1] =	stream.indirect.gather [hbm4b:s4+s21], $0x80, s2, s21, $0xb8;
	[tilespmem:$0x1AD80] =	vst v63  }
0x6e: {  	_ =	swait.ge [sflag:s23], $0x4000  }
0x6f: {  	[sflag:s23] =	ssyncset.done $0x0  }
0x70: {  	[sflag:s23] =	ssyncadd.s32 $0xFFFFC000  }
0x71: {  	[spmem:s1] =	stream.indirect.scatter.add.f32 [tilespmem:s22], [sflag:$0x2], $0x80, s21, s21, $0xb8;
	[tilespmem:$0x1AD80] =	vst v63  }
0x72: {  	_ =	swait.ge [sflag:s20], $0x4000  }
0x73: {  	[sflag:s20] =	ssyncset.done $0x0  }
0x74: {  	s25 =	simm.s32 @!p1 $0x0;
	s26 =	simm.s32 @!p1 $0x2;
	[sflag:s20] =	ssyncadd.s32 $0xFFFFC000  }
0x75: {  	[tilespmem:s25], [sflag:$0x2] =	stream.linear.gather @!p1 [hbm4b:s6+s25], $0x80, $0x38;
	[tilespmem:$0x1AD80] =	vst v63  }
0x76: {  	_ =	swait.ge @!p1 [sflag:s26], $0x80  }
0x77: {  	[sflag:s26] =	ssyncset.done @!p1 $0x0  }
0x78: {  	s28 =	simm.s32 @!p1 $0x80;
	[sflag:s26] =	ssyncadd.s32 @!p1 $0xFFFFFF80  }
0x79: {  	[tilespmem:s28], [sflag:$0x2] =	stream.linear.gather @!p1 [hbm4b:s7+s25], $0x80, $0x38;
	[tilespmem:$0x1AD80] =	vst v63  }
0x7a: {  	_ =	swait.ge @!p1 [sflag:s26], $0x80  }
0x7b: {  	[sflag:s26] =	ssyncset.done @!p1 $0x0  }
0x7c: {  	s29 =	simm.s32 @!p1 $0x100;
	[sflag:s26] =	ssyncadd.s32 @!p1 $0xFFFFFF80  }
0x7d: {  	[tilespmem:s29], [sflag:$0x1] =	stream.indirect.gather @!p1 [hbm4b:s4+s28], $0x80, s25, s28, $0xb8;
	[tilespmem:$0x1AD80] =	vst v63  }
0x7e: {  	s25 =	simm.s32 @!p1 $0x1  }
0x7f: {  	_ =	swait.ge @!p1 [sflag:s25], $0x4000  }
0x80: {  	[sflag:s25] =	ssyncset.done @!p1 $0x0  }
0x81: {  	[sflag:s25] =	ssyncadd.s32 @!p1 $0xFFFFC000  }
0x82: {  	[spmem:s1] =	stream.indirect.scatter.add.f32 @!p1 [tilespmem:s29], [sflag:$0x2], $0x80, s28, s28, $0xb8;
	[tilespmem:$0x1AD80] =	vst v63  }
0x83: {  	_ =	swait.ge @!p1 [sflag:s26], $0x4000  }
0x84: {  	[sflag:s26] =	ssyncset.done @!p1 $0x0  }
0x85: {  	s30 =	sshll.u32 s3, $0x6;
	[sflag:s26] =	ssyncadd.s32 @!p1 $0xFFFFC000  }
0x86: {  	s31 =	sshrl.u32 s9, $0x3;
	s25 =	sor.u32 $0x1C02, s30;
	[bflag:$0x0] =	sbarrier.arrive $0xFFFF  }
0x87: {  	[hbm:s8], [sflag:s25] =	dma.local [spmem:s31], $0x2700  }
0x88: {  	_ =	swait.ge [sflag:s20], $0x2700  }
0x89: {  	s24 =	sadd.s32 $0x1, s24;
	[sflag:s20] =	ssyncset.done $0x0  }
0x8a: {  	p2 =	sne.s32 s24, s11;
	s26 =	sshrl.u32 @!p0 s5, $0x3;
	[sflag:s20] =	ssyncadd.s32 $0xFFFFD900  }
0x8b: {  	[hbm:s10], [sflag:s25] =	dma.local @!p0 [spmem:s26], $0x100  }
.Ltmp2:
0x8c: {  	_ = 	snop;
	(pc) =	sbr.rel @p2 .LBB2_1-.Ltmp2, $4  }
0x8d: {  	s25 =	simm.s32 @!p0 $0x2  }
0x8e: {  	_ =	swait.ge @!p0 [sflag:s25], $0x100  }
0x8f: {  	[sflag:s25] =	ssyncset.done @!p0 $0x0  }
0x90: {  	[sflag:s25] =	ssyncadd.s32 @!p0 $0xFFFFFF00  }
0x91: {  	_ =	sfence.sel $0x180000  }
0x92: {  	[bflag:$0x0] =	sbarrier.arrive $0xFFFF  }
0x93: {  	p0 =	sne.s32 s3, $0x0;
	_ =	strace $0x9000004D  }
0x94: {  	s0 =	sadd.s32 @!p0 $0x100000, s0;
	[bflag:$0x2] =	sbarrier.arrive $0xFFFF  }
0x95: {  	[sflag:s0] =	ssyncadd.tile.s32 @!p0 $0x1;
	_ =	shalt  }
.Lfunc_end2:
_tile_overlayer_lowered:
.L_overlay_start_2:
0x96: {  	(tag) =	ssettag $0x2  }
0x97: {  	s0 =	rddreg [dreg:$0x0];
	s2 =	stileid.u32  }
0x98: {  	s1 =	rddreg [dreg:$0x1];
	p0 =	sne.s32 s2, $0x0  }
0x99: {  	s3 =	rddreg [dreg:$0x2];
	[bflag:$0x3] =	sbarrier.arrive $0xFFFF;
	s2 =	simm.s32 @!p0 $0x1C02  }
0x9a: {  	[timem:s3], [sflag:s2] =	dma.local @!p0 [hbm:s0], s1  }
0x9b: {  	s0 =	simm.s32 @!p0 $0x2  }
0x9c: {  	_ =	swait.ge @!p0 [sflag:s0], s1  }
0x9d: {  	s1 =	ssub.s32 @!p0 $0x0, s1;
	[sflag:s0] =	ssyncset.done @!p0 $0x0  }
0x9e: {  	[sflag:s0] =	ssyncadd.s32 @!p0 s1  }
0x9f: {  	[bflag:$0x3] =	sbarrier.arrive $0xFFFF  }
0xa0: {  	_ =	shalt  }

// kernel: kernel.8.cloned.1.call-start
scs
__scs_entry_jumppad:
0x0: {  	(pc) =	sbr.rel $0x88, $3  }
0x1: {  	(tag) =	ssettag $0x0;
	lr =	simm.s32 $0x1  }
0x2: {  	[smem:$0x3F97] =	sst lr;
	_ =	strace $0xD0000000  }
0x3: {  	_ = 	snop  }
0x4: {  	_ = 	snop  }
0x5: {  	_ = 	snop  }
0x6: {  	_ = 	snop  }
0x7: {  	_ = 	snop  }
__scs_overlays_trampoline_lowered:
0x8: {  	[smem:$0x3FA6] =	sst s0  }
0x9: {  	[smem:$0x3FA7] =	sst s1  }
0xa: {  	[smem:$0x3FA8] =	sst s2  }
0xb: {  	[smem:$0x3FA9] =	sst s3  }
0xc: {  	[smem:$0x3FAA] =	sst s4  }
0xd: {  	[smem:$0x3FAB] =	sst s5  }
0xe: {  	[smem:$0x3FAC] =	sst s6  }
0xf: {  	[smem:$0x3FAD] =	sst s7  }
0x10: {  	[smem:$0x3FAE] =	sst s8  }
0x11: {  	[smem:$0x3FAF] =	sst s9;
	s0 =	simm.s32 @!p0 $0x0  }
0x12: {  	s1 =	sld [smem:$0x3F95];
	s0 =	simm.s32 @p0 $0x1  }
0x13: {  	[smem:$0x3FB0] =	sst s0;
	s0 =	simm.s32 @!p1 $0x0  }
0x14: {  	s2 =	sld [smem:$0x3F94];
	s0 =	simm.s32 @p1 $0x1  }
0x15: {  	[smem:$0x3FB1] =	sst s0;
	s0 =	simm.s32 @!p2 $0x0  }
0x16: {  	s3 =	sld [smem:$0x3FDB];
	s0 =	simm.s32 @p2 $0x1  }
0x17: {  	s4 =	simm.s32 $0x1BF5;
	[smem:$0x3FB3] =	sst s0  }
0x18: {  	s0 =	sld [smem:$0x3F96];
	_ =	swait.ge [sflag:s4], $0x0  }
0x19: {  	s7 =	sld [smem:$0x3F97]  }
0x1a: {  	s8 =	sadd.s32 $0xFFFFE003, lr  }
0x1b: {  	s9 =	sadd.s32 $0xFFFFFEF7, lr;
	s5 =	simm.s32 $0xFFFFFFFF;
	p2 =	slt.u32 s8, $0xFFFFF086  }
0x1c: {  	p1 =	slt.u32 s9, $0xF7A;
	s5 =	simm.s32 @!p2 $0x0  }
0x1d: {  	s5 =	simm.s32 @p1 $0x1;
	p0 =	seq.s32 s7, s2  }
0x1e: {  	s7 =	smul.u32 @!p0 $0xF7A, s2;
	p2 =	seq.s32 @!p0 s5, $0x0  }
0x1f: {  	s9 =	smul.u32 $0xF7A, s1;
	s8 =	simm.s32 @!p0 $0x1BF5;
	p2 =	por !p2, p0  }
0x20: {  	[sflag:s8] =	ssyncset.s32 @!p0 $0xFFFFF086;
	s6 =	sadd.s32 @!p0 s3, s7;
	s7 =	simm.s32 @!p0 $0x108  }
0x21: {  	s3 =	sadd.s32 s3, s9;
	s6 =	sadd.s32 @!p0 $0x88, s6;
	s7 =	simm.s32 @p2 $0x1082  }
0x22: {  	[simem:s7], [sflag:s8] =	dma.local @!p0 [hbm:s6], $0xF7A  }
0x23: {  	s9 =	sor.u32 $0xD0000000, s2;
	s6 =	simm.s32 $0x108;
	_ =	swait.ge @!p0 [sflag:s8], $0x0  }
0x24: {  	s3 =	sadd.s32 $0x88, s3;
	s6 =	simm.s32 @!p1 $0x1082;
	[sflag:s4] =	ssyncset.s32 $0xFFFFF086  }
0x25: {  	[simem:s6], [sflag:s4] =	dma.local [hbm:s3], $0xF7A  }
0x26: {  	[smem:$0x3F97] =	sst s1;
	(tag) =	ssettag s2;
	_ =	strace s9  }
0x27: {  	s1 =	sld [smem:$0x3FA7]  }
0x28: {  	s2 =	sld [smem:$0x3FA8]  }
0x29: {  	s4 =	sld [smem:$0x3FAA]  }
0x2a: {  	p0 =	seq.s32 s5, $0x0;
	s5 =	sld [smem:$0x3FAB]  }
0x2b: {  	s6 =	sld [smem:$0x3FAC]  }
0x2c: {  	s7 =	sld [smem:$0x3FAD]  }
0x2d: {  	s3 =	simm.s32 $0x108;
	s8 =	sld [smem:$0x3FAE]  }
0x2e: {  	s3 =	simm.s32 @!p0 $0x1082;
	s9 =	sld [smem:$0x3FAF]  }
0x2f: {  	lr =	sadd.s32 s0, s3;
	s0 =	sld [smem:$0x3FA6]  }
0x30: {  	s3 =	sld [smem:$0x3FA9]  }
0x31: {  	[smem:$0x3FB2] =	sst s10  }
0x32: {  	s10 =	sld [smem:$0x3FB0];
	_ =	sdelay $0x3  }
0x33: {  	p0 =	seq.s32 s10, $0x1;
	s10 =	sld [smem:$0x3FB2];
	_ =	sdelay $0x3  }
0x34: {  	[smem:$0x3FB2] =	sst s10  }
0x35: {  	s10 =	sld [smem:$0x3FB1];
	_ =	sdelay $0x3  }
0x36: {  	p1 =	seq.s32 s10, $0x1;
	s10 =	sld [smem:$0x3FB2];
	_ =	sdelay $0x3  }
0x37: {  	[smem:$0x3FB2] =	sst s10  }
0x38: {  	s10 =	sld [smem:$0x3FB3]  }
0x39: {  	_ = 	snop;
	(pc) =	sbr.ind lr, $3  }
0x3a: {  	_ = 	snop  }
0x3b: {  	_ = 	snop  }
0x3c: {  	p2 =	seq.s32 s10, $0x1;
	s10 =	sld [smem:$0x3FB2]  }
0x3d: {  	_ =	shalt  }
0x3e: {  	_ =	shalt  }
0x3f: {  	_ =	shalt  }
0x40: {  	_ =	shalt  }
0x41: {  	_ =	shalt  }
0x42: {  	_ =	shalt  }
0x43: {  	_ =	shalt  }
0x44: {  	_ =	shalt  }
0x45: {  	_ =	shalt  }
0x46: {  	_ =	shalt  }
0x47: {  	_ =	shalt  }
0x48: {  	_ =	shalt  }
0x49: {  	_ =	shalt  }
0x4a: {  	_ =	shalt  }
0x4b: {  	_ =	shalt  }
0x4c: {  	_ =	shalt  }
0x4d: {  	_ =	shalt  }
0x4e: {  	_ =	shalt  }
0x4f: {  	_ =	shalt  }
0x50: {  	_ =	shalt  }
0x51: {  	_ =	shalt  }
0x52: {  	_ =	shalt  }
0x53: {  	_ =	shalt  }
0x54: {  	_ =	shalt  }
0x55: {  	_ =	shalt  }
0x56: {  	_ =	shalt  }
0x57: {  	_ =	shalt  }
0x58: {  	_ =	shalt  }
0x59: {  	_ =	shalt  }
0x5a: {  	_ =	shalt  }
0x5b: {  	_ =	shalt  }
0x5c: {  	_ =	shalt  }
0x5d: {  	_ =	shalt  }
0x5e: {  	_ =	shalt  }
0x5f: {  	_ =	shalt  }
0x60: {  	_ =	shalt  }
0x61: {  	_ =	shalt  }
0x62: {  	_ =	shalt  }
0x63: {  	_ =	shalt  }
0x64: {  	_ =	shalt  }
0x65: {  	_ =	shalt  }
0x66: {  	_ =	shalt  }
0x67: {  	_ =	shalt  }
0x68: {  	_ =	shalt  }
0x69: {  	_ =	shalt  }
0x6a: {  	_ =	shalt  }
0x6b: {  	_ =	shalt  }
0x6c: {  	_ =	shalt  }
0x6d: {  	_ =	shalt  }
0x6e: {  	_ =	shalt  }
0x6f: {  	_ =	shalt  }
0x70: {  	_ =	shalt  }
0x71: {  	_ =	shalt  }
0x72: {  	_ =	shalt  }
0x73: {  	_ =	shalt  }
0x74: {  	_ =	shalt  }
0x75: {  	_ =	shalt  }
0x76: {  	_ =	shalt  }
0x77: {  	_ =	shalt  }
0x78: {  	_ =	shalt  }
0x79: {  	_ =	shalt  }
0x7a: {  	_ =	shalt  }
0x7b: {  	_ =	shalt  }
0x7c: {  	_ =	shalt  }
0x7d: {  	_ =	shalt  }
0x7e: {  	_ =	shalt  }
0x7f: {  	_ =	shalt  }
0x80: {  	_ =	shalt  }
0x81: {  	_ =	shalt  }
0x82: {  	_ =	shalt  }
0x83: {  	_ =	shalt  }
0x84: {  	_ =	shalt  }
0x85: {  	_ =	shalt  }
0x86: {  	_ =	shalt  }
0x87: {  	_ =	shalt  }
.Lfunc_end0:
.L_simem_size_0:
called_computation_lowered:
.L_overlay_start_0:
0x88: {  	s2 =	sld [smem:$0x3FD9]  }
0x89: {  	s3 =	sld [smem:$0x3FFE];
	_ =	sdelay $0x1  }
0x8a: {  	s1 =	srdreg.scid  }
0x8b: {  	s0 =	sand.u32 $0x1, s1  }
0x8c: {  	s16 =	sshll.u32 s0, $0xA;
	s2 =	sadd.s32 s3, s2  }
0x8d: {  	s2 =	sadd.s32 s2, s16  }
0x8e: {  	[smem:$0x3FBE] =	sst s2  }
0x8f: {  	_ = 	snop  }
0x90: {  	(tm) =	ssettm $0x1  }
0x91: {  	s17 =	sld [smem:$0x3FFB];
	_ =	sdelay $0x3  }
0x92: {  	_ =	strace s17  }
0x93: {  	s2 =	sld [smem:$0x3FFC];
	_ =	sdelay $0x3  }
0x94: {  	_ =	strace s2  }
0x95: {  	s2 =	sld [smem:$0x3FFD];
	_ =	sdelay $0x3  }
0x96: {  	_ =	strace s2  }
0x97: {  	_ =	strace $0x8FFFFFFF  }
0x98: {  	s18 =	sld [smem:$0x3FDB];
	_ =	sdelay $0x1  }
0x99: {  	s19 =	simm.s32 $_scs_section_size  }
0x9a: {  	s4 =	simm.s32 $_size__tile_overlayer_lowered;
	s5 =	simm.s32 $_tile_overlayer_lowered  }
0x9b: {  	s22 =	simm.s32 $0x1BFF;
	s21 =	sshll.u32 s5, $0x1;
	s2 =	sadd.s32 s19, s18  }
0x9c: {  	s6 =	simm.s32 $0x0;
	s20 =	sshll.u32 s4, $0x1;
	s4 =	sadd.s32 s21, s2  }
0x9d: {  	[timem:s6], [sflag:s22] =	dma.local [hbm:s4], s20  }
0x9e: {  	_ =	swait.ge [sflag:s22], s20  }
0x9f: {  	s3 =	ssub.s32 $0x0, s20;
	[sflag:s22] =	ssyncset.done $0x0  }
0xa0: {  	[sflag:s22] =	ssyncadd.s32 s3;
	_ =	sdelay $0x1  }
0xa1: {  	s23 =	simm.s32 $0x1B8B  }
0xa2: {  	_ =	swait.ge [sflag:s23], $0x1  }
0xa3: {  	[sflag:s23] =	ssyncset.done $0x0  }
0xa4: {  	s25 =	simm.s32 $0x1B8E;
	s24 =	sld [smem:$0x3FFE];
	[sflag:s23] =	ssyncadd.s32 $0xFFFFFFFF  }
0xa5: {  	s26 =	simm.s32 $execute0_lowered;
	[smem:$0x3FD2] =	sst s25  }
0xa6: {  	s4 =	sshll.u32 s26, $0x1;
	_ =	strace $0x80000046;
	[dreg:$0x1] =	wrdreg $0xFFFFFFFF  }
0xa7: {  	s28 =	simm.s32 $_size_execute0_lowered;
	s2 =	sadd.s32 s2, s4;
	[dreg:$0x0] =	wrdreg $0x0  }
0xa8: {  	s4 =	sshll.u32 s28, $0x1;
	[dreg:$0x2] =	wrdreg s2  }
0xa9: {  	[dreg:$0x3] =	wrdreg s4  }
0xaa: {  	[dreg:$0x4] =	wrdreg $0xC0  }
0xab: {  	_ =	task [dreg:s6], $0x5FFFF  }
0xac: {  	[dreg:$0x1] =	wrdreg $0xFFFFFFFF  }
0xad: {  	[dreg:$0x0] =	wrdreg $0x60  }
0xae: {  	[dreg:$0x2] =	wrdreg s24  }
0xaf: {  	[dreg:$0x3] =	wrdreg $0x74800  }
0xb0: {  	[dreg:$0x4] =	wrdreg $0x9  }
0xb1: {  	_ =	task.clear_ibuf [dreg:s6], $0x5FFFF;
	_ =	strace $0x90000046  }
0xb2: {  	s29 =	simm.s32 $0x9;
	_ =	strace $0x80000048  }
0xb3: {  	_ =	swait.ge [sflag:s29], $0x1  }
0xb4: {  	[sflag:s29] =	ssyncadd.s32 $0xFFFFFFFF  }
0xb5: {  	_ =	strace $0x90000048  }
0xb6: {  	_ =	sfence  }
0xb7: {  	s30 =	sld [smem:$0x0];
	_ =	sdelay $0x2  }
0xb8: {  	s31 =	sshll.u32 s1, $0xD;
	s1 =	sshrl.u32 s1, $0x2  }
0xb9: {  	s3 =	sand.u32 $0x4000, s31;
	s1 =	sadd.s32 s1, s30  }
0xba: {  	s0 =	sor.u32 s3, s0;
	s1 =	sshll.u32 s1, $0x11  }
0xbb: {  	s0 =	sor.u32 s1, s0  }
0xbc: {  	s0 =	sadd.s32 $0x8F2B, s0  }
0xbd: {  	[sflag:s0] =	ssyncadd.remote.s32 $0x1  }
0xbe: {  	_ =	sfence.sel $0xFFFF  }
0xbf: {  	[dreg:$0x0] =	wrdreg $0xFFFFFFFF;
	(pc) =	sbr.abs _section_cstart, $3  }
0xc0: {  	[dreg:$0x1] =	wrdreg $0xFFFFFFFF  }
0xc1: {  	_ =	task.clear_ibuf [dreg:s6], $0x2FFFF;
	_ =	strace $0x9FFFFFFF  }
0xc2: {  	(tm) =	ssettm $0x7FFFFFFF  }
0xc3: {  	_ =	shalt  }
tec
execute0_lowered:
.L_overlay_start_1:
0x0: {  	(tag) =	ssettag $0x1  }
0x1: {  	s3 =	rddreg [dreg:$0x0]  }
0x2: {  	s1 =	rddreg [dreg:$0x1]  }
0x3: {  	s0 =	rddreg [dreg:$0x2];
	s2 =	simm.s32 $0x0;
	s4 =	srdreg.scid  }
0x4: {  	s17 =	simm.s32 $0x1;
	s9 =	sand.u32 $0x1, s4;
	s13 =	sadd.s32 $0x1A00, s3  }
0x5: {  	s7 =	sadd.s32 $0x6A00, s3;
	s3 =	stileid.u32;
	s6 =	smul.u32 $0x138800, s9  }
0x6: {  	s18 =	simm.s32 $0x80;
	[smem:$0x7FF] =	sst s2;
	s28 =	smul.u32 $0x13800, s3  }
0x7: {  	_ =	strace $0x80000047;
	s4 =	ssub.s32 $0x2, s9;
	s12 =	smul.u32 $0x4E000, s3  }
0x8: {  	s26 =	sshll.u32 s9, $0x4;
	s8 =	sshll.u32 s3, $0x4;
	s14 =	smul.u32 $0x2700, s9  }
0x9: {  	s15 =	smul.u32 $0x270, s3;
	p0 =	sne.s32 s3, $0xF;
	s5 =	sshrl.u32 s4, $0x1  }
0xa: {  	s19 =	sor.u32 s3, s26;
	s8 =	sadd.s32 s8, s13;
	s10 =	ssub.s32 s4, s5  }
0xb: {  	s4 =	sadd.s32 $0x138000, s1;
	s11 =	sadd.s32 s28, s6;
	s5 =	sadd.s32 $0x4E00, s8  }
0xc: {  	s30 =	sshrl.u32 s6, $0x3;
	s31 =	sshrl.u32 s12, $0x2;
	s16 =	sadd.s32 s14, s13  }
0xd: {  	p1 =	sgt.u32 s19, $0x1;
	s19 =	simm.s32 $0x0;
	s29 =	sshrl.u32 s11, $0x3  }
0xe: {  	s11 =	sadd.s32 s7, s30;
	s9 =	smax.u32 s10, $0x1;
	s15 =	sadd.s32 s15, s16  }
0xf: {  	s16 =	simm.s32 $0x4080;
	s6 =	sadd.s32 s7, s29;
	s7 =	sadd.s32 s31, s1  }
0x10: {  	s8 =	sadd.s32 $0x27000, s11;
	s10 =	sadd.s32 $0x3400, s7;
	s11 =	sadd.s32 $0x6800, s7  }
0x11: {  	v0 =	vimm.f32 $1.000000000e+00;
	v1 =	vimm.f32 $0.0e+00;
	s12 =	sadd.s32 $0x9C00, s7;
	s13 =	sadd.s32 $0xD000, s7;
	s14 =	sadd.s32 $0x10400, s7  }
.LBB2_1:
0x12: {  	s20 =	simm.s32 $0x0;
	s21 =	simm.s32 $0x200  }
.LBB2_2:
0x13: {  	p2 =	sne.s32 s21, $0xFE00;
	[tilespmem:s20+$0xF0] =	vst v0  }
0x14: {  	[tilespmem:s20+$0x80] =	vst v0  }
0x15: {  	[tilespmem:s20+$0x90] =	vst v0  }
.Ltmp0:
0x16: {  	[tilespmem:s20+$0xA0] =	vst v0;
	(pc) =	sbr.rel @p2 .LBB2_2-.Ltmp0, $4  }
0x17: {  	[tilespmem:s20+$0xB0] =	vst v0  }
0x18: {  	[tilespmem:s20+$0xC0] =	vst v0  }
0x19: {  	[tilespmem:s20+$0xD0] =	vst v0  }
0x1a: {  	[tilespmem:s20+$0xE0] =	vst v0;
	s20 =	sshra.s32 s21, $0x2;
	s21 =	sadd.s32 $0x200, s21  }
0x1b: {  	[tilespmem:s20+$0xF0] =	vst v0  }
0x1c: {  	[tilespmem:s20+$0x80] =	vst v0  }
0x1d: {  	[tilespmem:s20+$0x90] =	vst v0  }
0x1e: {  	[tilespmem:s20+$0xA0] =	vst v0  }
0x1f: {  	[tilespmem:s20+$0xB0] =	vst v0  }
0x20: {  	[tilespmem:s20+$0xC0] =	vst v0  }
0x21: {  	[tilespmem:s20+$0xD0] =	vst v0  }
0x22: {  	[tilespmem:s20+$0xE0] =	vst v0;
	s20 =	simm.s32 $0x0;
	s21 =	simm.s32 $0x200  }
.LBB2_4:
0x23: {  	p2 =	sne.s32 s21, $0xCE00;
	[tilespmem:s20+$0x40F0] =	vst v1  }
0x24: {  	[tilespmem:s20+$0x4080] =	vst v1  }
0x25: {  	[tilespmem:s20+$0x4090] =	vst v1  }
.Ltmp1:
0x26: {  	[tilespmem:s20+$0x40A0] =	vst v1;
	(pc) =	sbr.rel @p2 .LBB2_4-.Ltmp1, $4  }
0x27: {  	[tilespmem:s20+$0x40B0] =	vst v1  }
0x28: {  	[tilespmem:s20+$0x40C0] =	vst v1  }
0x29: {  	[tilespmem:s20+$0x40D0] =	vst v1  }
0x2a: {  	[tilespmem:s20+$0x40E0] =	vst v1;
	s20 =	sshra.s32 s21, $0x2;
	s21 =	sadd.s32 $0x200, s21  }
0x2b: {  	[tilespmem:s20+$0x40F0] =	vst v1  }
0x2c: {  	[tilespmem:s20+$0x4080] =	vst v1  }
0x2d: {  	[tilespmem:s20+$0x4090] =	vst v1  }
0x2e: {  	[tilespmem:s20+$0x40A0] =	vst v1  }
0x2f: {  	[tilespmem:s20+$0x40B0] =	vst v1  }
0x30: {  	[tilespmem:s20+$0x40C0] =	vst v1  }
0x31: {  	[tilespmem:s20+$0x40D0] =	vst v1  }
0x32: {  	[tilespmem:s20+$0x40E0] =	vst v1  }
0x33: {  	[spmem:s7] =	stream.linear.scatter [tilespmem:s16], [sflag:$0x1], $0x3400, $0x38;
	[tilespmem:$0x1AD00] =	vst v63  }
0x34: {  	_ =	swait.ge [sflag:s17], $0x3400  }
0x35: {  	[sflag:s17] =	ssyncset.done $0x0  }
0x36: {  	[sflag:s17] =	ssyncadd.s32 $0xFFFFCC00  }
0x37: {  	[spmem:s10] =	stream.linear.scatter [tilespmem:s16], [sflag:$0x1], $0x3400, $0x38;
	[tilespmem:$0x1AD00] =	vst v63  }
0x38: {  	_ =	swait.ge [sflag:s17], $0x3400  }
0x39: {  	[sflag:s17] =	ssyncset.done $0x0  }
0x3a: {  	[sflag:s17] =	ssyncadd.s32 $0xFFFFCC00  }
0x3b: {  	[spmem:s11] =	stream.linear.scatter [tilespmem:s16], [sflag:$0x1], $0x3400, $0x38;
	[tilespmem:$0x1AD00] =	vst v63  }
0x3c: {  	_ =	swait.ge [sflag:s17], $0x3400  }
0x3d: {  	[sflag:s17] =	ssyncset.done $0x0  }
0x3e: {  	[sflag:s17] =	ssyncadd.s32 $0xFFFFCC00  }
0x3f: {  	[spmem:s12] =	stream.linear.scatter [tilespmem:s16], [sflag:$0x1], $0x3400, $0x38;
	[tilespmem:$0x1AD00] =	vst v63  }
0x40: {  	_ =	swait.ge [sflag:s17], $0x3400  }
0x41: {  	[sflag:s17] =	ssyncset.done $0x0  }
0x42: {  	[sflag:s17] =	ssyncadd.s32 $0xFFFFCC00  }
0x43: {  	[spmem:s13] =	stream.linear.scatter [tilespmem:s16], [sflag:$0x1], $0x3400, $0x38;
	[tilespmem:$0x1AD00] =	vst v63  }
0x44: {  	_ =	swait.ge [sflag:s17], $0x3400  }
0x45: {  	[sflag:s17] =	ssyncset.done $0x0  }
0x46: {  	[sflag:s17] =	ssyncadd.s32 $0xFFFFCC00  }
0x47: {  	[spmem:s14] =	stream.linear.scatter [tilespmem:s16], [sflag:$0x1], $0x3400, $0x38;
	[tilespmem:$0x1AD00] =	vst v63  }
0x48: {  	_ =	swait.ge [sflag:s17], $0x3400  }
0x49: {  	[sflag:s17] =	ssyncset.done $0x0  }
0x4a: {  	s20 =	simm.s32 @!p0 $0x4080;
	[sflag:s17] =	ssyncadd.s32 $0xFFFFCC00  }
0x4b: {  	[spmem:s4] =	stream.linear.scatter @!p0 [tilespmem:s20], [sflag:$0x1], $0x800, $0x38;
	[tilespmem:$0x1AD00] =	vst v63  }
0x4c: {  	s20 =	simm.s32 @!p0 $0x1  }
0x4d: {  	_ =	swait.ge @!p0 [sflag:s20], $0x800  }
0x4e: {  	[sflag:s20] =	ssyncset.done @!p0 $0x0  }
0x4f: {  	[sflag:s20] =	ssyncadd.s32 @!p0 $0xFFFFF800  }
0x50: {  	s31 =	sadd.s32 $0x0, s15;
	[bflag:$0x0] =	sbarrier.arrive $0xFFFF  }
0x51: {  	[tilespmem:s2], [sflag:$0x1] =	stream.linear.gather [hbm4b:s31+s2], $0x80, $0x38;
	[tilespmem:$0x1AD00] =	vst v63  }
0x52: {  	_ =	swait.ge [sflag:s17], $0x80  }
0x53: {  	[sflag:s17] =	ssyncset.done $0x0  }
0x54: {  	[sflag:s17] =	ssyncadd.s32 $0xFFFFFF80  }
0x55: {  	[spmem:s1] =	stream.indirect.scatter.add.f32 [tilespmem:s18], [sflag:$0x1], $0x80, s2, s18, $0xb8;
	[tilespmem:$0x1AD00] =	vst v63  }
0x56: {  	_ =	swait.ge [sflag:s17], $0x4000  }
0x57: {  	s21 =	simm.s32 $0x20;
	s20 =	simm.s32 $0x10;
	[sflag:s17] =	ssyncset.done $0x0  }
.LBB2_6:
0x58: {  	s22 =	sadd.s32 s20, s15  }
0x59: {  	[sflag:s17] =	ssyncadd.s32 $0xFFFFC000;
	s20 =	smov.u32 s21;
	s23 =	sadd.s32 $0x10, s21  }
0x5a: {  	[tilespmem:s2], [sflag:$0x1] =	stream.linear.gather [hbm4b:s22+s2], $0x80, $0x38;
	[tilespmem:$0x1AD00] =	vst v63  }
0x5b: {  	p2 =	sne.s32 s21, $0x260;
	_ =	swait.ge [sflag:s17], $0x80  }
.Ltmp2:
0x5c: {  	[sflag:s17] =	ssyncset.done $0x0;
	(pc) =	sbr.rel @p2 .LBB2_6-.Ltmp2, $4  }
0x5d: {  	[sflag:s17] =	ssyncadd.s32 $0xFFFFFF80  }
0x5e: {  	[spmem:s1] =	stream.indirect.scatter.add.f32 [tilespmem:s18], [sflag:$0x1], $0x80, s2, s18, $0xb8;
	[tilespmem:$0x1AD00] =	vst v63  }
0x5f: {  	_ =	swait.ge [sflag:s17], $0x4000  }
0x60: {  	s21 =	smov.u32 s23;
	[sflag:s17] =	ssyncset.done $0x0  }
0x61: {  	s20 =	sadd.s32 s20, s15;
	[sflag:s17] =	ssyncadd.s32 $0xFFFFC000  }
0x62: {  	[tilespmem:s2], [sflag:$0x1] =	stream.linear.gather [hbm4b:s20+s2], $0x80, $0x38;
	[tilespmem:$0x1AD00] =	vst v63  }
0x63: {  	_ =	swait.ge [sflag:s17], $0x80  }
0x64: {  	[sflag:s17] =	ssyncset.done $0x0  }
0x65: {  	[sflag:s17] =	ssyncadd.s32 $0xFFFFFF80  }
0x66: {  	[spmem:s1] =	stream.indirect.scatter.add.f32 [tilespmem:s18], [sflag:$0x1], $0x80, s2, s18, $0xb8;
	[tilespmem:$0x1AD00] =	vst v63  }
0x67: {  	_ =	swait.ge [sflag:s17], $0x4000  }
0x68: {  	[sflag:s17] =	ssyncset.done $0x0  }
0x69: {  	s21 =	simm.s32 @!p1 $0x1;
	s20 =	simm.s32 @!p1 $0x0;
	[sflag:s17] =	ssyncadd.s32 $0xFFFFC000  }
0x6a: {  	[tilespmem:s20], [sflag:$0x1] =	stream.linear.gather @!p1 [hbm4b:s5+s20], $0x80, $0x38;
	[tilespmem:$0x1AD00] =	vst v63  }
0x6b: {  	_ =	swait.ge @!p1 [sflag:s21], $0x80  }
0x6c: {  	[sflag:s21] =	ssyncset.done @!p1 $0x0  }
0x6d: {  	s22 =	simm.s32 @!p1 $0x80;
	[sflag:s21] =	ssyncadd.s32 @!p1 $0xFFFFFF80  }
0x6e: {  	[spmem:s1] =	stream.indirect.scatter.add.f32 @!p1 [tilespmem:s22], [sflag:$0x1], $0x80, s20, s22, $0xb8;
	[tilespmem:$0x1AD00] =	vst v63  }
0x6f: {  	_ =	swait.ge @!p1 [sflag:s21], $0x4000  }
0x70: {  	[sflag:s21] =	ssyncset.done @!p1 $0x0  }
0x71: {  	s30 =	sshll.u32 s3, $0x6;
	[sflag:s21] =	ssyncadd.s32 @!p1 $0xFFFFC000  }
0x72: {  	s31 =	sshrl.u32 s7, $0x3;
	s20 =	sor.u32 $0x1C01, s30;
	[bflag:$0x0] =	sbarrier.arrive $0xFFFF  }
0x73: {  	[hbm:s6], [sflag:s20] =	dma.local [spmem:s31], $0x2700  }
0x74: {  	_ =	swait.ge [sflag:s17], $0x2700  }
0x75: {  	s19 =	sadd.s32 $0x1, s19;
	[sflag:s17] =	ssyncset.done $0x0  }
0x76: {  	p2 =	sne.s32 s19, s9;
	s21 =	sshrl.u32 @!p0 s4, $0x3;
	[sflag:s17] =	ssyncadd.s32 $0xFFFFD900  }
0x77: {  	[hbm:s8], [sflag:s20] =	dma.local @!p0 [spmem:s21], $0x100  }
.Ltmp3:
0x78: {  	_ = 	snop;
	(pc) =	sbr.rel @p2 .LBB2_1-.Ltmp3, $4  }
0x79: {  	s20 =	simm.s32 @!p0 $0x1  }
0x7a: {  	_ =	swait.ge @!p0 [sflag:s20], $0x100  }
0x7b: {  	[sflag:s20] =	ssyncset.done @!p0 $0x0  }
0x7c: {  	[sflag:s20] =	ssyncadd.s32 @!p0 $0xFFFFFF00  }
0x7d: {  	_ =	sfence.sel $0x180000  }
0x7e: {  	[bflag:$0x0] =	sbarrier.arrive $0xFFFF  }
0x7f: {  	p0 =	sne.s32 s3, $0x0;
	_ =	strace $0x90000047  }
0x80: {  	s0 =	sadd.s32 @!p0 $0x100000, s0;
	[bflag:$0x2] =	sbarrier.arrive $0xFFFF  }
0x81: {  	[sflag:s0] =	ssyncadd.tile.s32 @!p0 $0x1;
	_ =	shalt  }
.Lfunc_end2:
_tile_overlayer_lowered:
.L_overlay_start_2:
0x82: {  	(tag) =	ssettag $0x2  }
0x83: {  	s0 =	rddreg [dreg:$0x0];
	s2 =	stileid.u32  }
0x84: {  	s1 =	rddreg [dreg:$0x1];
	p0 =	sne.s32 s2, $0x0  }
0x85: {  	s3 =	rddreg [dreg:$0x2];
	[bflag:$0x3] =	sbarrier.arrive $0xFFFF;
	s2 =	simm.s32 @!p0 $0x1C01  }
0x86: {  	[timem:s3], [sflag:s2] =	dma.local @!p0 [hbm:s0], s1  }
0x87: {  	s0 =	simm.s32 @!p0 $0x1  }
0x88: {  	_ =	swait.ge @!p0 [sflag:s0], s1  }
0x89: {  	s1 =	ssub.s32 @!p0 $0x0, s1;
	[sflag:s0] =	ssyncset.done @!p0 $0x0  }
0x8a: {  	[sflag:s0] =	ssyncadd.s32 @!p0 s1  }
0x8b: {  	[bflag:$0x3] =	sbarrier.arrive $0xFFFF  }
0x8c: {  	_ =	shalt  }

</sc_bundles>
